<compile_context>
chip_gen: v7x
topology: tpu7x:2x2x1
jax: 0.10.2.dev20260603
libtpu: 0.0.44.dev20260713+nightly
codegen_flags: <defaults>
</compile_context>

<pallas_src>
import functools

import jax
import jax.numpy as jnp
from jax import lax
from jax.experimental import pallas as pl
from jax.experimental.pallas import tpu as pltpu
from jax.experimental.pallas import tpu_sc as plsc

_INFO = plsc.get_sparse_core_info()
_NC = _INFO.num_cores
_NS = _INFO.num_subcores
_NW = _NC * _NS
_CHUNK = 80
_NBUF = 8
_AHEAD = 6


def _embed_lookup(idx_grouped, W, n_rows, d):
    k = idx_grouped.shape[1]
    per_w = k * _CHUNK
    assert k % _NBUF == 0
    nm = k // _NBUF

    @functools.partial(
        pl.kernel,
        mesh=plsc.VectorSubcoreMesh(core_axis_name="c", subcore_axis_name="s"),
        out_type=jax.ShapeDtypeStruct((n_rows, d), jnp.float32),
        scratch_types=[
            pltpu.VMEM((k, _CHUNK), jnp.int32),
            pltpu.VMEM((_NBUF, _CHUNK, d), jnp.float32),
            pltpu.SemaphoreType.DMA((_NBUF,)),
            pltpu.SemaphoreType.DMA((_NBUF,)),
        ],
    )
    def emb(idx_hbm, table_hbm, out_hbm, idx_v, bufs, gsem, wsem):
        wid = lax.axis_index("s") * _NC + lax.axis_index("c")
        base = wid * per_w
        pltpu.sync_copy(idx_hbm.at[wid], idx_v)

        def start_gather(j, b):
            pltpu.async_copy(table_hbm.at[idx_v.at[j]], bufs.at[b], gsem.at[b])

        def wait_gather(b):
            pltpu.make_async_copy(
                table_hbm.at[pl.ds(0, _CHUNK)], bufs.at[b], gsem.at[b]).wait()

        def start_write(j, b):
            pltpu.async_copy(
                bufs.at[b], out_hbm.at[pl.ds(base + j * _CHUNK, _CHUNK)],
                wsem.at[b])

        def wait_write(b):
            pltpu.make_async_copy(
                bufs.at[b], out_hbm.at[pl.ds(0, _CHUNK)], wsem.at[b]).wait()

        for b in range(_AHEAD):
            start_gather(b, b)

        def body(m, carry):
            j0 = _NBUF * m
            for u in range(_NBUF):
                j = j0 + u
                pb = (u + _AHEAD) % _NBUF
                wait_gather(u)
                if u < _NBUF - _AHEAD:
                    @pl.when(m > 0)
                    def _():
                        wait_write(pb)
                        start_gather(j + _AHEAD, pb)

                    @pl.when(m == 0)
                    def _():
                        start_gather(j + _AHEAD, pb)
                else:
                    wait_write(pb)

                    @pl.when(m < nm - 1)
                    def _():
                        start_gather(j + _AHEAD, pb)
                start_write(j, u)
            return carry

        lax.fori_loop(0, nm, body, 0)
        for j in range(k - (_NBUF - _AHEAD), k):
            wait_write(j % _NBUF)

    return emb(idx_grouped, W)


def kernel(input_ids, W):
    B, L = input_ids.shape
    V, D = W.shape
    n = B * L
    idx = input_ids.reshape(_NW, n // (_NW * _CHUNK), _CHUNK).astype(jnp.int32)
    out = _embed_lookup(idx, W, n, D)
    return out.reshape(B, L, D)

# --- scband reference (transcript-rebuilt; emitter-appended) ---
"""Pipeline reference for scband-embedding-9500467658786 (READ-ONLY COPY).

The authoritative reference and input builder live on the scoring server;
editing this copy changes nothing except your own understanding.
"""

import jax, jax.numpy as jnp
import numpy as np

VOCAB = 100000
DIM = 128
B = 1024
L = 200


def setup_inputs(seed: int = 0) -> dict:
    key = jax.random.key(seed)
    k1, k2 = jax.random.split(key)
    input_ids = jax.random.randint(k1, (B, L), 0, VOCAB)
    W = jax.random.normal(k2, (VOCAB, DIM), dtype=jnp.float32) * 0.02
    # padding_idx=0: torch initializes the padding row to zeros
    W = W.at[0].set(0.0)
    return {"input_ids": input_ids, "W": W}


def reference(input_ids, W):
    # embed: nn.Embedding lookup -> gather rows of the table
    embeddings = jnp.take(W, input_ids, axis=0)
    return embeddings

if __name__ == "__main__":
    import jax
    _d = setup_inputs()
    print(jax.jit(kernel)(*tuple(_d.values())))

</pallas_src>

<mosaic_0001>
#map = affine_map<(d0, d1) -> (0, 0, 0)>
#map1 = affine_map<(d0, d1) -> (0, 0)>
module attributes {stable_mosaic.version = 14 : i64} {
  func.func @emb(%arg0: i32, %arg1: i32, %arg2: memref<32x80x80xi32, #tpu.memory_space<hbm>>, %arg3: memref<100000x128xf32, #tpu.memory_space<hbm>>, %arg4: memref<204800x128xf32, #tpu.memory_space<hbm>>, %arg5: memref<80x80xi32, #tpu.memory_space<vmem>>, %arg6: memref<8x80x128xf32, #tpu.memory_space<vmem>>, %arg7: memref<8x!tpu.dma_semaphore, #tpu.memory_space<semaphore_mem>>, %arg8: memref<8x!tpu.dma_semaphore, #tpu.memory_space<semaphore_mem>>) attributes {dimension_semantics = [#tpu.dimension_semantics<core_parallel>, #tpu.dimension_semantics<subcore_parallel>], iteration_bounds = array<i64: 2, 16>, scalar_prefetch = 0 : i64, scratch_operands = 4 : i64, tpu.core_type = #tpu.core_type<sc_vector_subcore>, window_params = [{transform_indices = #map}, {transform_indices = #map1}, {transform_indices = #map1}]} {
    %mul3A = arith.constant 2 : i32
    %mul3A_0 = arith.muli %arg1, %mul3A : i32
    %add3A = arith.addi %mul3A_0, %arg0 : i32
    %mul3A_1 = arith.constant 6400 : i32
    %mul3A_2 = arith.muli %add3A, %mul3A_1 : i32
    "tpu.region"() ({
      %run_scoped3A = tpu.sem_alloc : memref<!tpu.dma_semaphore, #tpu.memory_space<semaphore_mem>>
      %dma_start3A_132 = arith.constant 0 : i32
      %dma_start3A_133 = arith.constant 0 : i32
      %dma_start3A_134 = tpu.memref_slice %arg2[%add3A, %dma_start3A_132, %dma_start3A_133] : memref<32x80x80xi32, #tpu.memory_space<hbm>> -> memref<1x80x80xi32, #tpu.memory_space<hbm>>
      %dma_start3A_135 = tpu.memref_squeeze %dma_start3A_134 : memref<1x80x80xi32, #tpu.memory_space<hbm>> -> memref<80x80xi32, #tpu.memory_space<hbm>>
      %dma_start3A_136 = arith.constant 0 : i32
      %dma_start3A_137 = arith.constant 0 : i32
      %dma_start3A_138 = tpu.memref_slice %arg2[%add3A, %dma_start3A_136, %dma_start3A_137] : memref<32x80x80xi32, #tpu.memory_space<hbm>> -> memref<1x80x80xi32, #tpu.memory_space<hbm>>
      %dma_start3A_139 = tpu.memref_squeeze %dma_start3A_138 : memref<1x80x80xi32, #tpu.memory_space<hbm>> -> memref<80x80xi32, #tpu.memory_space<hbm>>
      tpu.enqueue_dma source(%dma_start3A_139 : memref<80x80xi32, #tpu.memory_space<hbm>>) target(%arg5 : memref<80x80xi32, #tpu.memory_space<vmem>>) target_semaphore(%run_scoped3A : memref<!tpu.dma_semaphore, #tpu.memory_space<semaphore_mem>>)
      %dma_wait3A_140 = arith.constant 0 : i32
      %dma_wait3A_141 = arith.constant 0 : i32
      %dma_wait3A_142 = tpu.memref_slice %arg2[%add3A, %dma_wait3A_140, %dma_wait3A_141] : memref<32x80x80xi32, #tpu.memory_space<hbm>> -> memref<1x80x80xi32, #tpu.memory_space<hbm>>
      %dma_wait3A_143 = tpu.memref_squeeze %dma_wait3A_142 : memref<1x80x80xi32, #tpu.memory_space<hbm>> -> memref<80x80xi32, #tpu.memory_space<hbm>>
      %dma_wait3A_144 = arith.constant 0 : i32
      %dma_wait3A_145 = arith.constant 0 : i32
      %dma_wait3A_146 = tpu.memref_slice %arg2[%add3A, %dma_wait3A_144, %dma_wait3A_145] : memref<32x80x80xi32, #tpu.memory_space<hbm>> -> memref<1x80x80xi32, #tpu.memory_space<hbm>>
      %dma_wait3A_147 = tpu.memref_squeeze %dma_wait3A_146 : memref<1x80x80xi32, #tpu.memory_space<hbm>> -> memref<80x80xi32, #tpu.memory_space<hbm>>
      tpu.wait_dma2 semaphore(%run_scoped3A : memref<!tpu.dma_semaphore, #tpu.memory_space<semaphore_mem>>) src(%dma_wait3A_147 : memref<80x80xi32, #tpu.memory_space<hbm>>) dst(%arg5 : memref<80x80xi32, #tpu.memory_space<vmem>>)
      tpu.yield
    }) : () -> ()
    %dma_start3A = arith.constant 0 : i32
    %dma_start3A_3 = arith.constant 0 : i32
    %dma_start3A_4 = arith.constant 0 : i32
    %dma_start3A_5 = arith.constant 0 : i32
    %dma_start3A_6 = arith.constant 0 : i32
    %dma_start3A_7 = tpu.memref_slice %arg6[%dma_start3A_3, %dma_start3A_5, %dma_start3A_6] : memref<8x80x128xf32, #tpu.memory_space<vmem>> -> memref<1x80x128xf32, #tpu.memory_space<vmem>>
    %dma_start3A_8 = tpu.memref_squeeze %dma_start3A_7 : memref<1x80x128xf32, #tpu.memory_space<vmem>> -> memref<80x128xf32, #tpu.memory_space<vmem>>
    %dma_start3A_9 = arith.constant 0 : i32
    %dma_start3A_10 = tpu.memref_slice %arg5[%dma_start3A, %dma_start3A_9] : memref<80x80xi32, #tpu.memory_space<vmem>> -> memref<1x80xi32, #tpu.memory_space<vmem>>
    %dma_start3A_11 = tpu.memref_squeeze %dma_start3A_10 : memref<1x80xi32, #tpu.memory_space<vmem>> -> memref<80xi32, #tpu.memory_space<vmem>>
    %dma_start3A_12 = arith.constant 0 : i32
    %dma_start3A_13 = arith.constant 0 : i32
    %dma_start3A_14 = tpu.memref_slice %arg3[%dma_start3A_12, %dma_start3A_13] : memref<100000x128xf32, #tpu.memory_space<hbm>> -> memref<100000x128xf32, #tpu.memory_space<hbm>>
    %dma_start3A_15 = tpu.memref_slice %arg7[%dma_start3A_4] : memref<8x!tpu.dma_semaphore, #tpu.memory_space<semaphore_mem>> -> memref<1x!tpu.dma_semaphore, #tpu.memory_space<semaphore_mem>>
    %dma_start3A_16 = tpu.memref_squeeze %dma_start3A_15 : memref<1x!tpu.dma_semaphore, #tpu.memory_space<semaphore_mem>> -> memref<!tpu.dma_semaphore, #tpu.memory_space<semaphore_mem>>
    tpu.enqueue_indirect_dma source(%dma_start3A_14 : memref<100000x128xf32, #tpu.memory_space<hbm>>) target(%dma_start3A_8 : memref<80x128xf32, #tpu.memory_space<vmem>>) offsets(%dma_start3A_11 : memref<80xi32, #tpu.memory_space<vmem>>) semaphore(%dma_start3A_16 : memref<!tpu.dma_semaphore, #tpu.memory_space<semaphore_mem>>)
    %dma_start3A_17 = arith.constant 1 : i32
    %dma_start3A_18 = arith.constant 1 : i32
    %dma_start3A_19 = arith.constant 1 : i32
    %dma_start3A_20 = arith.constant 0 : i32
    %dma_start3A_21 = arith.constant 0 : i32
    %dma_start3A_22 = tpu.memref_slice %arg6[%dma_start3A_18, %dma_start3A_20, %dma_start3A_21] : memref<8x80x128xf32, #tpu.memory_space<vmem>> -> memref<1x80x128xf32, #tpu.memory_space<vmem>>
    %dma_start3A_23 = tpu.memref_squeeze %dma_start3A_22 : memref<1x80x128xf32, #tpu.memory_space<vmem>> -> memref<80x128xf32, #tpu.memory_space<vmem>>
    %dma_start3A_24 = arith.constant 0 : i32
    %dma_start3A_25 = tpu.memref_slice %arg5[%dma_start3A_17, %dma_start3A_24] : memref<80x80xi32, #tpu.memory_space<vmem>> -> memref<1x80xi32, #tpu.memory_space<vmem>>
    %dma_start3A_26 = tpu.memref_squeeze %dma_start3A_25 : memref<1x80xi32, #tpu.memory_space<vmem>> -> memref<80xi32, #tpu.memory_space<vmem>>
    %dma_start3A_27 = arith.constant 0 : i32
    %dma_start3A_28 = arith.constant 0 : i32
    %dma_start3A_29 = tpu.memref_slice %arg3[%dma_start3A_27, %dma_start3A_28] : memref<100000x128xf32, #tpu.memory_space<hbm>> -> memref<100000x128xf32, #tpu.memory_space<hbm>>
    %dma_start3A_30 = tpu.memref_slice %arg7[%dma_start3A_19] : memref<8x!tpu.dma_semaphore, #tpu.memory_space<semaphore_mem>> -> memref<1x!tpu.dma_semaphore, #tpu.memory_space<semaphore_mem>>
    %dma_start3A_31 = tpu.memref_squeeze %dma_start3A_30 : memref<1x!tpu.dma_semaphore, #tpu.memory_space<semaphore_mem>> -> memref<!tpu.dma_semaphore, #tpu.memory_space<semaphore_mem>>
    tpu.enqueue_indirect_dma source(%dma_start3A_29 : memref<100000x128xf32, #tpu.memory_space<hbm>>) target(%dma_start3A_23 : memref<80x128xf32, #tpu.memory_space<vmem>>) offsets(%dma_start3A_26 : memref<80xi32, #tpu.memory_space<vmem>>) semaphore(%dma_start3A_31 : memref<!tpu.dma_semaphore, #tpu.memory_space<semaphore_mem>>)
    %dma_start3A_32 = arith.constant 2 : i32
    %dma_start3A_33 = arith.constant 2 : i32
    %dma_start3A_34 = arith.constant 2 : i32
    %dma_start3A_35 = arith.constant 0 : i32
    %dma_start3A_36 = arith.constant 0 : i32
    %dma_start3A_37 = tpu.memref_slice %arg6[%dma_start3A_33, %dma_start3A_35, %dma_start3A_36] : memref<8x80x128xf32, #tpu.memory_space<vmem>> -> memref<1x80x128xf32, #tpu.memory_space<vmem>>
    %dma_start3A_38 = tpu.memref_squeeze %dma_start3A_37 : memref<1x80x128xf32, #tpu.memory_space<vmem>> -> memref<80x128xf32, #tpu.memory_space<vmem>>
    %dma_start3A_39 = arith.constant 0 : i32
    %dma_start3A_40 = tpu.memref_slice %arg5[%dma_start3A_32, %dma_start3A_39] : memref<80x80xi32, #tpu.memory_space<vmem>> -> memref<1x80xi32, #tpu.memory_space<vmem>>
    %dma_start3A_41 = tpu.memref_squeeze %dma_start3A_40 : memref<1x80xi32, #tpu.memory_space<vmem>> -> memref<80xi32, #tpu.memory_space<vmem>>
    %dma_start3A_42 = arith.constant 0 : i32
    %dma_start3A_43 = arith.constant 0 : i32
    %dma_start3A_44 = tpu.memref_slice %arg3[%dma_start3A_42, %dma_start3A_43] : memref<100000x128xf32, #tpu.memory_space<hbm>> -> memref<100000x128xf32, #tpu.memory_space<hbm>>
    %dma_start3A_45 = tpu.memref_slice %arg7[%dma_start3A_34] : memref<8x!tpu.dma_semaphore, #tpu.memory_space<semaphore_mem>> -> memref<1x!tpu.dma_semaphore, #tpu.memory_space<semaphore_mem>>
    %dma_start3A_46 = tpu.memref_squeeze %dma_start3A_45 : memref<1x!tpu.dma_semaphore, #tpu.memory_space<semaphore_mem>> -> memref<!tpu.dma_semaphore, #tpu.memory_space<semaphore_mem>>
    tpu.enqueue_indirect_dma source(%dma_start3A_44 : memref<100000x128xf32, #tpu.memory_space<hbm>>) target(%dma_start3A_38 : memref<80x128xf32, #tpu.memory_space<vmem>>) offsets(%dma_start3A_41 : memref<80xi32, #tpu.memory_space<vmem>>) semaphore(%dma_start3A_46 : memref<!tpu.dma_semaphore, #tpu.memory_space<semaphore_mem>>)
    %dma_start3A_47 = arith.constant 3 : i32
    %dma_start3A_48 = arith.constant 3 : i32
    %dma_start3A_49 = arith.constant 3 : i32
    %dma_start3A_50 = arith.constant 0 : i32
    %dma_start3A_51 = arith.constant 0 : i32
    %dma_start3A_52 = tpu.memref_slice %arg6[%dma_start3A_48, %dma_start3A_50, %dma_start3A_51] : memref<8x80x128xf32, #tpu.memory_space<vmem>> -> memref<1x80x128xf32, #tpu.memory_space<vmem>>
    %dma_start3A_53 = tpu.memref_squeeze %dma_start3A_52 : memref<1x80x128xf32, #tpu.memory_space<vmem>> -> memref<80x128xf32, #tpu.memory_space<vmem>>
    %dma_start3A_54 = arith.constant 0 : i32
    %dma_start3A_55 = tpu.memref_slice %arg5[%dma_start3A_47, %dma_start3A_54] : memref<80x80xi32, #tpu.memory_space<vmem>> -> memref<1x80xi32, #tpu.memory_space<vmem>>
    %dma_start3A_56 = tpu.memref_squeeze %dma_start3A_55 : memref<1x80xi32, #tpu.memory_space<vmem>> -> memref<80xi32, #tpu.memory_space<vmem>>
    %dma_start3A_57 = arith.constant 0 : i32
    %dma_start3A_58 = arith.constant 0 : i32
    %dma_start3A_59 = tpu.memref_slice %arg3[%dma_start3A_57, %dma_start3A_58] : memref<100000x128xf32, #tpu.memory_space<hbm>> -> memref<100000x128xf32, #tpu.memory_space<hbm>>
    %dma_start3A_60 = tpu.memref_slice %arg7[%dma_start3A_49] : memref<8x!tpu.dma_semaphore, #tpu.memory_space<semaphore_mem>> -> memref<1x!tpu.dma_semaphore, #tpu.memory_space<semaphore_mem>>
    %dma_start3A_61 = tpu.memref_squeeze %dma_start3A_60 : memref<1x!tpu.dma_semaphore, #tpu.memory_space<semaphore_mem>> -> memref<!tpu.dma_semaphore, #tpu.memory_space<semaphore_mem>>
    tpu.enqueue_indirect_dma source(%dma_start3A_59 : memref<100000x128xf32, #tpu.memory_space<hbm>>) target(%dma_start3A_53 : memref<80x128xf32, #tpu.memory_space<vmem>>) offsets(%dma_start3A_56 : memref<80xi32, #tpu.memory_space<vmem>>) semaphore(%dma_start3A_61 : memref<!tpu.dma_semaphore, #tpu.memory_space<semaphore_mem>>)
    %dma_start3A_62 = arith.constant 4 : i32
    %dma_start3A_63 = arith.constant 4 : i32
    %dma_start3A_64 = arith.constant 4 : i32
    %dma_start3A_65 = arith.constant 0 : i32
    %dma_start3A_66 = arith.constant 0 : i32
    %dma_start3A_67 = tpu.memref_slice %arg6[%dma_start3A_63, %dma_start3A_65, %dma_start3A_66] : memref<8x80x128xf32, #tpu.memory_space<vmem>> -> memref<1x80x128xf32, #tpu.memory_space<vmem>>
    %dma_start3A_68 = tpu.memref_squeeze %dma_start3A_67 : memref<1x80x128xf32, #tpu.memory_space<vmem>> -> memref<80x128xf32, #tpu.memory_space<vmem>>
    %dma_start3A_69 = arith.constant 0 : i32
    %dma_start3A_70 = tpu.memref_slice %arg5[%dma_start3A_62, %dma_start3A_69] : memref<80x80xi32, #tpu.memory_space<vmem>> -> memref<1x80xi32, #tpu.memory_space<vmem>>
    %dma_start3A_71 = tpu.memref_squeeze %dma_start3A_70 : memref<1x80xi32, #tpu.memory_space<vmem>> -> memref<80xi32, #tpu.memory_space<vmem>>
    %dma_start3A_72 = arith.constant 0 : i32
    %dma_start3A_73 = arith.constant 0 : i32
    %dma_start3A_74 = tpu.memref_slice %arg3[%dma_start3A_72, %dma_start3A_73] : memref<100000x128xf32, #tpu.memory_space<hbm>> -> memref<100000x128xf32, #tpu.memory_space<hbm>>
    %dma_start3A_75 = tpu.memref_slice %arg7[%dma_start3A_64] : memref<8x!tpu.dma_semaphore, #tpu.memory_space<semaphore_mem>> -> memref<1x!tpu.dma_semaphore, #tpu.memory_space<semaphore_mem>>
    %dma_start3A_76 = tpu.memref_squeeze %dma_start3A_75 : memref<1x!tpu.dma_semaphore, #tpu.memory_space<semaphore_mem>> -> memref<!tpu.dma_semaphore, #tpu.memory_space<semaphore_mem>>
    tpu.enqueue_indirect_dma source(%dma_start3A_74 : memref<100000x128xf32, #tpu.memory_space<hbm>>) target(%dma_start3A_68 : memref<80x128xf32, #tpu.memory_space<vmem>>) offsets(%dma_start3A_71 : memref<80xi32, #tpu.memory_space<vmem>>) semaphore(%dma_start3A_76 : memref<!tpu.dma_semaphore, #tpu.memory_space<semaphore_mem>>)
    %dma_start3A_77 = arith.constant 5 : i32
    %dma_start3A_78 = arith.constant 5 : i32
    %dma_start3A_79 = arith.constant 5 : i32
    %dma_start3A_80 = arith.constant 0 : i32
    %dma_start3A_81 = arith.constant 0 : i32
    %dma_start3A_82 = tpu.memref_slice %arg6[%dma_start3A_78, %dma_start3A_80, %dma_start3A_81] : memref<8x80x128xf32, #tpu.memory_space<vmem>> -> memref<1x80x128xf32, #tpu.memory_space<vmem>>
    %dma_start3A_83 = tpu.memref_squeeze %dma_start3A_82 : memref<1x80x128xf32, #tpu.memory_space<vmem>> -> memref<80x128xf32, #tpu.memory_space<vmem>>
    %dma_start3A_84 = arith.constant 0 : i32
    %dma_start3A_85 = tpu.memref_slice %arg5[%dma_start3A_77, %dma_start3A_84] : memref<80x80xi32, #tpu.memory_space<vmem>> -> memref<1x80xi32, #tpu.memory_space<vmem>>
    %dma_start3A_86 = tpu.memref_squeeze %dma_start3A_85 : memref<1x80xi32, #tpu.memory_space<vmem>> -> memref<80xi32, #tpu.memory_space<vmem>>
    %dma_start3A_87 = arith.constant 0 : i32
    %dma_start3A_88 = arith.constant 0 : i32
    %dma_start3A_89 = tpu.memref_slice %arg3[%dma_start3A_87, %dma_start3A_88] : memref<100000x128xf32, #tpu.memory_space<hbm>> -> memref<100000x128xf32, #tpu.memory_space<hbm>>
    %dma_start3A_90 = tpu.memref_slice %arg7[%dma_start3A_79] : memref<8x!tpu.dma_semaphore, #tpu.memory_space<semaphore_mem>> -> memref<1x!tpu.dma_semaphore, #tpu.memory_space<semaphore_mem>>
    %dma_start3A_91 = tpu.memref_squeeze %dma_start3A_90 : memref<1x!tpu.dma_semaphore, #tpu.memory_space<semaphore_mem>> -> memref<!tpu.dma_semaphore, #tpu.memory_space<semaphore_mem>>
    tpu.enqueue_indirect_dma source(%dma_start3A_89 : memref<100000x128xf32, #tpu.memory_space<hbm>>) target(%dma_start3A_83 : memref<80x128xf32, #tpu.memory_space<vmem>>) offsets(%dma_start3A_86 : memref<80xi32, #tpu.memory_space<vmem>>) semaphore(%dma_start3A_91 : memref<!tpu.dma_semaphore, #tpu.memory_space<semaphore_mem>>)
    %scan3A = arith.constant 0 : i32
    %scan3A_92 = arith.constant 0 : i32
    %scan3A_93 = arith.constant 10 : i32
    %scan3A_94 = arith.addi %scan3A_92, %scan3A_93 : i32
    %scan3A_95 = arith.constant 1 : i32
    scf.for %scan3A_132 = %scan3A_92 to %scan3A_94 step %scan3A_95  : i32 {
      %mul3A_133 = arith.constant 8 : i32
      %mul3A_134 = arith.muli %mul3A_133, %scan3A_132 : i32
      %add3A_135 = arith.constant 0 : i32
      %add3A_136 = arith.addi %mul3A_134, %add3A_135 : i32
      %dma_wait3A_137 = arith.constant 0 : i32
      %dma_wait3A_138 = arith.constant 0 : i32
      %dma_wait3A_139 = arith.constant 0 : i32
      %dma_wait3A_140 = arith.constant 0 : i32
      %dma_wait3A_141 = tpu.memref_slice %arg6[%dma_wait3A_137, %dma_wait3A_139, %dma_wait3A_140] : memref<8x80x128xf32, #tpu.memory_space<vmem>> -> memref<1x80x128xf32, #tpu.memory_space<vmem>>
      %dma_wait3A_142 = tpu.memref_squeeze %dma_wait3A_141 : memref<1x80x128xf32, #tpu.memory_space<vmem>> -> memref<80x128xf32, #tpu.memory_space<vmem>>
      %dma_wait3A_143 = arith.constant 0 : i32
      %dma_wait3A_144 = arith.constant 0 : i32
      %dma_wait3A_145 = tpu.memref_slice %arg3[%dma_wait3A_143, %dma_wait3A_144] : memref<100000x128xf32, #tpu.memory_space<hbm>> -> memref<80x128xf32, #tpu.memory_space<hbm>>
      %dma_wait3A_146 = tpu.memref_slice %arg7[%dma_wait3A_138] : memref<8x!tpu.dma_semaphore, #tpu.memory_space<semaphore_mem>> -> memref<1x!tpu.dma_semaphore, #tpu.memory_space<semaphore_mem>>
      %dma_wait3A_147 = tpu.memref_squeeze %dma_wait3A_146 : memref<1x!tpu.dma_semaphore, #tpu.memory_space<semaphore_mem>> -> memref<!tpu.dma_semaphore, #tpu.memory_space<semaphore_mem>>
      %dma_wait3A_148 = arith.constant 0 : i32
      %dma_wait3A_149 = arith.constant 0 : i32
      %dma_wait3A_150 = tpu.memref_slice %arg6[%dma_wait3A_137, %dma_wait3A_148, %dma_wait3A_149] : memref<8x80x128xf32, #tpu.memory_space<vmem>> -> memref<1x80x128xf32, #tpu.memory_space<vmem>>
      %dma_wait3A_151 = tpu.memref_squeeze %dma_wait3A_150 : memref<1x80x128xf32, #tpu.memory_space<vmem>> -> memref<80x128xf32, #tpu.memory_space<vmem>>
      %dma_wait3A_152 = arith.constant 0 : i32
      %dma_wait3A_153 = arith.constant 0 : i32
      %dma_wait3A_154 = tpu.memref_slice %arg3[%dma_wait3A_152, %dma_wait3A_153] : memref<100000x128xf32, #tpu.memory_space<hbm>> -> memref<80x128xf32, #tpu.memory_space<hbm>>
      tpu.wait_dma2 semaphore(%dma_wait3A_147 : memref<!tpu.dma_semaphore, #tpu.memory_space<semaphore_mem>>) src(%dma_wait3A_154 : memref<80x128xf32, #tpu.memory_space<hbm>>) dst(%dma_wait3A_151 : memref<80x128xf32, #tpu.memory_space<vmem>>)
      %gt3A = arith.constant 0 : i32
      %gt3A_155 = arith.cmpi sgt, %scan3A_132, %gt3A : i32
      %convert_element_type3A = arith.extui %gt3A_155 : i1 to i32
      %cond3A = arith.constant 0 : i32
      %cond3A_156 = arith.cmpi ne, %convert_element_type3A, %cond3A : i32
      scf.if %cond3A_156 {
        %dma_wait3A_600 = arith.constant 6 : i32
        %dma_wait3A_601 = arith.constant 6 : i32
        %dma_wait3A_602 = arith.constant 0 : i32
        %dma_wait3A_603 = arith.constant 0 : i32
        %dma_wait3A_604 = tpu.memref_slice %arg6[%dma_wait3A_600, %dma_wait3A_602, %dma_wait3A_603] : memref<8x80x128xf32, #tpu.memory_space<vmem>> -> memref<1x80x128xf32, #tpu.memory_space<vmem>>
        %dma_wait3A_605 = tpu.memref_squeeze %dma_wait3A_604 : memref<1x80x128xf32, #tpu.memory_space<vmem>> -> memref<80x128xf32, #tpu.memory_space<vmem>>
        %dma_wait3A_606 = arith.constant 0 : i32
        %dma_wait3A_607 = arith.constant 0 : i32
        %dma_wait3A_608 = tpu.memref_slice %arg4[%dma_wait3A_606, %dma_wait3A_607] : memref<204800x128xf32, #tpu.memory_space<hbm>> -> memref<80x128xf32, #tpu.memory_space<hbm>>
        %dma_wait3A_609 = tpu.memref_slice %arg8[%dma_wait3A_601] : memref<8x!tpu.dma_semaphore, #tpu.memory_space<semaphore_mem>> -> memref<1x!tpu.dma_semaphore, #tpu.memory_space<semaphore_mem>>
        %dma_wait3A_610 = tpu.memref_squeeze %dma_wait3A_609 : memref<1x!tpu.dma_semaphore, #tpu.memory_space<semaphore_mem>> -> memref<!tpu.dma_semaphore, #tpu.memory_space<semaphore_mem>>
        %dma_wait3A_611 = arith.constant 0 : i32
        %dma_wait3A_612 = arith.constant 0 : i32
        %dma_wait3A_613 = tpu.memref_slice %arg4[%dma_wait3A_611, %dma_wait3A_612] : memref<204800x128xf32, #tpu.memory_space<hbm>> -> memref<80x128xf32, #tpu.memory_space<hbm>>
        %dma_wait3A_614 = arith.constant 0 : i32
        %dma_wait3A_615 = arith.constant 0 : i32
        %dma_wait3A_616 = tpu.memref_slice %arg6[%dma_wait3A_600, %dma_wait3A_614, %dma_wait3A_615] : memref<8x80x128xf32, #tpu.memory_space<vmem>> -> memref<1x80x128xf32, #tpu.memory_space<vmem>>
        %dma_wait3A_617 = tpu.memref_squeeze %dma_wait3A_616 : memref<1x80x128xf32, #tpu.memory_space<vmem>> -> memref<80x128xf32, #tpu.memory_space<vmem>>
        tpu.wait_dma2 semaphore(%dma_wait3A_610 : memref<!tpu.dma_semaphore, #tpu.memory_space<semaphore_mem>>) src(%dma_wait3A_617 : memref<80x128xf32, #tpu.memory_space<vmem>>) dst(%dma_wait3A_613 : memref<80x128xf32, #tpu.memory_space<hbm>>)
        %add3A_618 = arith.constant 6 : i32
        %add3A_619 = arith.addi %add3A_136, %add3A_618 : i32
        %dma_start3A_620 = arith.constant 6 : i32
        %dma_start3A_621 = arith.constant 6 : i32
        %dma_start3A_622 = arith.constant 0 : i32
        %dma_start3A_623 = arith.constant 0 : i32
        %dma_start3A_624 = tpu.memref_slice %arg6[%dma_start3A_620, %dma_start3A_622, %dma_start3A_623] : memref<8x80x128xf32, #tpu.memory_space<vmem>> -> memref<1x80x128xf32, #tpu.memory_space<vmem>>
        %dma_start3A_625 = tpu.memref_squeeze %dma_start3A_624 : memref<1x80x128xf32, #tpu.memory_space<vmem>> -> memref<80x128xf32, #tpu.memory_space<vmem>>
        %dma_start3A_626 = arith.constant 0 : i32
        %dma_start3A_627 = tpu.memref_slice %arg5[%add3A_619, %dma_start3A_626] : memref<80x80xi32, #tpu.memory_space<vmem>> -> memref<1x80xi32, #tpu.memory_space<vmem>>
        %dma_start3A_628 = tpu.memref_squeeze %dma_start3A_627 : memref<1x80xi32, #tpu.memory_space<vmem>> -> memref<80xi32, #tpu.memory_space<vmem>>
        %dma_start3A_629 = arith.constant 0 : i32
        %dma_start3A_630 = arith.constant 0 : i32
        %dma_start3A_631 = tpu.memref_slice %arg3[%dma_start3A_629, %dma_start3A_630] : memref<100000x128xf32, #tpu.memory_space<hbm>> -> memref<100000x128xf32, #tpu.memory_space<hbm>>
        %dma_start3A_632 = tpu.memref_slice %arg7[%dma_start3A_621] : memref<8x!tpu.dma_semaphore, #tpu.memory_space<semaphore_mem>> -> memref<1x!tpu.dma_semaphore, #tpu.memory_space<semaphore_mem>>
        %dma_start3A_633 = tpu.memref_squeeze %dma_start3A_632 : memref<1x!tpu.dma_semaphore, #tpu.memory_space<semaphore_mem>> -> memref<!tpu.dma_semaphore, #tpu.memory_space<semaphore_mem>>
        tpu.enqueue_indirect_dma source(%dma_start3A_631 : memref<100000x128xf32, #tpu.memory_space<hbm>>) target(%dma_start3A_625 : memref<80x128xf32, #tpu.memory_space<vmem>>) offsets(%dma_start3A_628 : memref<80xi32, #tpu.memory_space<vmem>>) semaphore(%dma_start3A_633 : memref<!tpu.dma_semaphore, #tpu.memory_space<semaphore_mem>>)
      } else {
      }
      %eq3A = arith.constant 0 : i32
      %eq3A_157 = arith.cmpi eq, %scan3A_132, %eq3A : i32
      %convert_element_type3A_158 = arith.extui %eq3A_157 : i1 to i32
      %cond3A_159 = arith.constant 0 : i32
      %cond3A_160 = arith.cmpi ne, %convert_element_type3A_158, %cond3A_159 : i32
      scf.if %cond3A_160 {
        %add3A_600 = arith.constant 6 : i32
        %add3A_601 = arith.addi %add3A_136, %add3A_600 : i32
        %dma_start3A_602 = arith.constant 6 : i32
        %dma_start3A_603 = arith.constant 6 : i32
        %dma_start3A_604 = arith.constant 0 : i32
        %dma_start3A_605 = arith.constant 0 : i32
        %dma_start3A_606 = tpu.memref_slice %arg6[%dma_start3A_602, %dma_start3A_604, %dma_start3A_605] : memref<8x80x128xf32, #tpu.memory_space<vmem>> -> memref<1x80x128xf32, #tpu.memory_space<vmem>>
        %dma_start3A_607 = tpu.memref_squeeze %dma_start3A_606 : memref<1x80x128xf32, #tpu.memory_space<vmem>> -> memref<80x128xf32, #tpu.memory_space<vmem>>
        %dma_start3A_608 = arith.constant 0 : i32
        %dma_start3A_609 = tpu.memref_slice %arg5[%add3A_601, %dma_start3A_608] : memref<80x80xi32, #tpu.memory_space<vmem>> -> memref<1x80xi32, #tpu.memory_space<vmem>>
        %dma_start3A_610 = tpu.memref_squeeze %dma_start3A_609 : memref<1x80xi32, #tpu.memory_space<vmem>> -> memref<80xi32, #tpu.memory_space<vmem>>
        %dma_start3A_611 = arith.constant 0 : i32
        %dma_start3A_612 = arith.constant 0 : i32
        %dma_start3A_613 = tpu.memref_slice %arg3[%dma_start3A_611, %dma_start3A_612] : memref<100000x128xf32, #tpu.memory_space<hbm>> -> memref<100000x128xf32, #tpu.memory_space<hbm>>
        %dma_start3A_614 = tpu.memref_slice %arg7[%dma_start3A_603] : memref<8x!tpu.dma_semaphore, #tpu.memory_space<semaphore_mem>> -> memref<1x!tpu.dma_semaphore, #tpu.memory_space<semaphore_mem>>
        %dma_start3A_615 = tpu.memref_squeeze %dma_start3A_614 : memref<1x!tpu.dma_semaphore, #tpu.memory_space<semaphore_mem>> -> memref<!tpu.dma_semaphore, #tpu.memory_space<semaphore_mem>>
        tpu.enqueue_indirect_dma source(%dma_start3A_613 : memref<100000x128xf32, #tpu.memory_space<hbm>>) target(%dma_start3A_607 : memref<80x128xf32, #tpu.memory_space<vmem>>) offsets(%dma_start3A_610 : memref<80xi32, #tpu.memory_space<vmem>>) semaphore(%dma_start3A_615 : memref<!tpu.dma_semaphore, #tpu.memory_space<semaphore_mem>>)
      } else {
      }
      %mul3A_161 = arith.constant 80 : i32
      %mul3A_162 = arith.muli %add3A_136, %mul3A_161 : i32
      %add3A_163 = arith.addi %mul3A_2, %mul3A_162 : i32
      %dma_start3A_164 = arith.constant 0 : i32
      %dma_start3A_165 = arith.constant 0 : i32
      %dma_start3A_166 = arith.constant 0 : i32
      %dma_start3A_167 = arith.constant 0 : i32
      %dma_start3A_168 = tpu.memref_slice %arg6[%dma_start3A_164, %dma_start3A_166, %dma_start3A_167] : memref<8x80x128xf32, #tpu.memory_space<vmem>> -> memref<1x80x128xf32, #tpu.memory_space<vmem>>
      %dma_start3A_169 = tpu.memref_squeeze %dma_start3A_168 : memref<1x80x128xf32, #tpu.memory_space<vmem>> -> memref<80x128xf32, #tpu.memory_space<vmem>>
      %dma_start3A_170 = arith.constant 0 : i32
      %dma_start3A_171 = tpu.memref_slice %arg4[%add3A_163, %dma_start3A_170] : memref<204800x128xf32, #tpu.memory_space<hbm>> -> memref<80x128xf32, #tpu.memory_space<hbm>>
      %dma_start3A_172 = tpu.memref_slice %arg8[%dma_start3A_165] : memref<8x!tpu.dma_semaphore, #tpu.memory_space<semaphore_mem>> -> memref<1x!tpu.dma_semaphore, #tpu.memory_space<semaphore_mem>>
      %dma_start3A_173 = tpu.memref_squeeze %dma_start3A_172 : memref<1x!tpu.dma_semaphore, #tpu.memory_space<semaphore_mem>> -> memref<!tpu.dma_semaphore, #tpu.memory_space<semaphore_mem>>
      %dma_start3A_174 = arith.constant 0 : i32
      %dma_start3A_175 = tpu.memref_slice %arg4[%add3A_163, %dma_start3A_174] : memref<204800x128xf32, #tpu.memory_space<hbm>> -> memref<80x128xf32, #tpu.memory_space<hbm>>
      %dma_start3A_176 = arith.constant 0 : i32
      %dma_start3A_177 = arith.constant 0 : i32
      %dma_start3A_178 = tpu.memref_slice %arg6[%dma_start3A_164, %dma_start3A_176, %dma_start3A_177] : memref<8x80x128xf32, #tpu.memory_space<vmem>> -> memref<1x80x128xf32, #tpu.memory_space<vmem>>
      %dma_start3A_179 = tpu.memref_squeeze %dma_start3A_178 : memref<1x80x128xf32, #tpu.memory_space<vmem>> -> memref<80x128xf32, #tpu.memory_space<vmem>>
      tpu.enqueue_dma source(%dma_start3A_179 : memref<80x128xf32, #tpu.memory_space<vmem>>) target(%dma_start3A_175 : memref<80x128xf32, #tpu.memory_space<hbm>>) target_semaphore(%dma_start3A_173 : memref<!tpu.dma_semaphore, #tpu.memory_space<semaphore_mem>>)
      %add3A_180 = arith.constant 1 : i32
      %add3A_181 = arith.addi %mul3A_134, %add3A_180 : i32
      %dma_wait3A_182 = arith.constant 1 : i32
      %dma_wait3A_183 = arith.constant 1 : i32
      %dma_wait3A_184 = arith.constant 0 : i32
      %dma_wait3A_185 = arith.constant 0 : i32
      %dma_wait3A_186 = tpu.memref_slice %arg6[%dma_wait3A_182, %dma_wait3A_184, %dma_wait3A_185] : memref<8x80x128xf32, #tpu.memory_space<vmem>> -> memref<1x80x128xf32, #tpu.memory_space<vmem>>
      %dma_wait3A_187 = tpu.memref_squeeze %dma_wait3A_186 : memref<1x80x128xf32, #tpu.memory_space<vmem>> -> memref<80x128xf32, #tpu.memory_space<vmem>>
      %dma_wait3A_188 = arith.constant 0 : i32
      %dma_wait3A_189 = arith.constant 0 : i32
      %dma_wait3A_190 = tpu.memref_slice %arg3[%dma_wait3A_188, %dma_wait3A_189] : memref<100000x128xf32, #tpu.memory_space<hbm>> -> memref<80x128xf32, #tpu.memory_space<hbm>>
      %dma_wait3A_191 = tpu.memref_slice %arg7[%dma_wait3A_183] : memref<8x!tpu.dma_semaphore, #tpu.memory_space<semaphore_mem>> -> memref<1x!tpu.dma_semaphore, #tpu.memory_space<semaphore_mem>>
      %dma_wait3A_192 = tpu.memref_squeeze %dma_wait3A_191 : memref<1x!tpu.dma_semaphore, #tpu.memory_space<semaphore_mem>> -> memref<!tpu.dma_semaphore, #tpu.memory_space<semaphore_mem>>
      %dma_wait3A_193 = arith.constant 0 : i32
      %dma_wait3A_194 = arith.constant 0 : i32
      %dma_wait3A_195 = tpu.memref_slice %arg6[%dma_wait3A_182, %dma_wait3A_193, %dma_wait3A_194] : memref<8x80x128xf32, #tpu.memory_space<vmem>> -> memref<1x80x128xf32, #tpu.memory_space<vmem>>
      %dma_wait3A_196 = tpu.memref_squeeze %dma_wait3A_195 : memref<1x80x128xf32, #tpu.memory_space<vmem>> -> memref<80x128xf32, #tpu.memory_space<vmem>>
      %dma_wait3A_197 = arith.constant 0 : i32
      %dma_wait3A_198 = arith.constant 0 : i32
      %dma_wait3A_199 = tpu.memref_slice %arg3[%dma_wait3A_197, %dma_wait3A_198] : memref<100000x128xf32, #tpu.memory_space<hbm>> -> memref<80x128xf32, #tpu.memory_space<hbm>>
      tpu.wait_dma2 semaphore(%dma_wait3A_192 : memref<!tpu.dma_semaphore, #tpu.memory_space<semaphore_mem>>) src(%dma_wait3A_199 : memref<80x128xf32, #tpu.memory_space<hbm>>) dst(%dma_wait3A_196 : memref<80x128xf32, #tpu.memory_space<vmem>>)
      %gt3A_200 = arith.constant 0 : i32
      %gt3A_201 = arith.cmpi sgt, %scan3A_132, %gt3A_200 : i32
      %convert_element_type3A_202 = arith.extui %gt3A_201 : i1 to i32
      %cond3A_203 = arith.constant 0 : i32
      %cond3A_204 = arith.cmpi ne, %convert_element_type3A_202, %cond3A_203 : i32
      scf.if %cond3A_204 {
        %dma_wait3A_600 = arith.constant 7 : i32
        %dma_wait3A_601 = arith.constant 7 : i32
        %dma_wait3A_602 = arith.constant 0 : i32
        %dma_wait3A_603 = arith.constant 0 : i32
        %dma_wait3A_604 = tpu.memref_slice %arg6[%dma_wait3A_600, %dma_wait3A_602, %dma_wait3A_603] : memref<8x80x128xf32, #tpu.memory_space<vmem>> -> memref<1x80x128xf32, #tpu.memory_space<vmem>>
        %dma_wait3A_605 = tpu.memref_squeeze %dma_wait3A_604 : memref<1x80x128xf32, #tpu.memory_space<vmem>> -> memref<80x128xf32, #tpu.memory_space<vmem>>
        %dma_wait3A_606 = arith.constant 0 : i32
        %dma_wait3A_607 = arith.constant 0 : i32
        %dma_wait3A_608 = tpu.memref_slice %arg4[%dma_wait3A_606, %dma_wait3A_607] : memref<204800x128xf32, #tpu.memory_space<hbm>> -> memref<80x128xf32, #tpu.memory_space<hbm>>
        %dma_wait3A_609 = tpu.memref_slice %arg8[%dma_wait3A_601] : memref<8x!tpu.dma_semaphore, #tpu.memory_space<semaphore_mem>> -> memref<1x!tpu.dma_semaphore, #tpu.memory_space<semaphore_mem>>
        %dma_wait3A_610 = tpu.memref_squeeze %dma_wait3A_609 : memref<1x!tpu.dma_semaphore, #tpu.memory_space<semaphore_mem>> -> memref<!tpu.dma_semaphore, #tpu.memory_space<semaphore_mem>>
        %dma_wait3A_611 = arith.constant 0 : i32
        %dma_wait3A_612 = arith.constant 0 : i32
        %dma_wait3A_613 = tpu.memref_slice %arg4[%dma_wait3A_611, %dma_wait3A_612] : memref<204800x128xf32, #tpu.memory_space<hbm>> -> memref<80x128xf32, #tpu.memory_space<hbm>>
        %dma_wait3A_614 = arith.constant 0 : i32
        %dma_wait3A_615 = arith.constant 0 : i32
        %dma_wait3A_616 = tpu.memref_slice %arg6[%dma_wait3A_600, %dma_wait3A_614, %dma_wait3A_615] : memref<8x80x128xf32, #tpu.memory_space<vmem>> -> memref<1x80x128xf32, #tpu.memory_space<vmem>>
        %dma_wait3A_617 = tpu.memref_squeeze %dma_wait3A_616 : memref<1x80x128xf32, #tpu.memory_space<vmem>> -> memref<80x128xf32, #tpu.memory_space<vmem>>
        tpu.wait_dma2 semaphore(%dma_wait3A_610 : memref<!tpu.dma_semaphore, #tpu.memory_space<semaphore_mem>>) src(%dma_wait3A_617 : memref<80x128xf32, #tpu.memory_space<vmem>>) dst(%dma_wait3A_613 : memref<80x128xf32, #tpu.memory_space<hbm>>)
        %add3A_618 = arith.constant 6 : i32
        %add3A_619 = arith.addi %add3A_181, %add3A_618 : i32
        %dma_start3A_620 = arith.constant 7 : i32
        %dma_start3A_621 = arith.constant 7 : i32
        %dma_start3A_622 = arith.constant 0 : i32
        %dma_start3A_623 = arith.constant 0 : i32
        %dma_start3A_624 = tpu.memref_slice %arg6[%dma_start3A_620, %dma_start3A_622, %dma_start3A_623] : memref<8x80x128xf32, #tpu.memory_space<vmem>> -> memref<1x80x128xf32, #tpu.memory_space<vmem>>
        %dma_start3A_625 = tpu.memref_squeeze %dma_start3A_624 : memref<1x80x128xf32, #tpu.memory_space<vmem>> -> memref<80x128xf32, #tpu.memory_space<vmem>>
        %dma_start3A_626 = arith.constant 0 : i32
        %dma_start3A_627 = tpu.memref_slice %arg5[%add3A_619, %dma_start3A_626] : memref<80x80xi32, #tpu.memory_space<vmem>> -> memref<1x80xi32, #tpu.memory_space<vmem>>
        %dma_start3A_628 = tpu.memref_squeeze %dma_start3A_627 : memref<1x80xi32, #tpu.memory_space<vmem>> -> memref<80xi32, #tpu.memory_space<vmem>>
        %dma_start3A_629 = arith.constant 0 : i32
        %dma_start3A_630 = arith.constant 0 : i32
        %dma_start3A_631 = tpu.memref_slice %arg3[%dma_start3A_629, %dma_start3A_630] : memref<100000x128xf32, #tpu.memory_space<hbm>> -> memref<100000x128xf32, #tpu.memory_space<hbm>>
        %dma_start3A_632 = tpu.memref_slice %arg7[%dma_start3A_621] : memref<8x!tpu.dma_semaphore, #tpu.memory_space<semaphore_mem>> -> memref<1x!tpu.dma_semaphore, #tpu.memory_space<semaphore_mem>>
        %dma_start3A_633 = tpu.memref_squeeze %dma_start3A_632 : memref<1x!tpu.dma_semaphore, #tpu.memory_space<semaphore_mem>> -> memref<!tpu.dma_semaphore, #tpu.memory_space<semaphore_mem>>
        tpu.enqueue_indirect_dma source(%dma_start3A_631 : memref<100000x128xf32, #tpu.memory_space<hbm>>) target(%dma_start3A_625 : memref<80x128xf32, #tpu.memory_space<vmem>>) offsets(%dma_start3A_628 : memref<80xi32, #tpu.memory_space<vmem>>) semaphore(%dma_start3A_633 : memref<!tpu.dma_semaphore, #tpu.memory_space<semaphore_mem>>)
      } else {
      }
      %eq3A_205 = arith.constant 0 : i32
      %eq3A_206 = arith.cmpi eq, %scan3A_132, %eq3A_205 : i32
      %convert_element_type3A_207 = arith.extui %eq3A_206 : i1 to i32
      %cond3A_208 = arith.constant 0 : i32
      %cond3A_209 = arith.cmpi ne, %convert_element_type3A_207, %cond3A_208 : i32
      scf.if %cond3A_209 {
        %add3A_600 = arith.constant 6 : i32
        %add3A_601 = arith.addi %add3A_181, %add3A_600 : i32
        %dma_start3A_602 = arith.constant 7 : i32
        %dma_start3A_603 = arith.constant 7 : i32
        %dma_start3A_604 = arith.constant 0 : i32
        %dma_start3A_605 = arith.constant 0 : i32
        %dma_start3A_606 = tpu.memref_slice %arg6[%dma_start3A_602, %dma_start3A_604, %dma_start3A_605] : memref<8x80x128xf32, #tpu.memory_space<vmem>> -> memref<1x80x128xf32, #tpu.memory_space<vmem>>
        %dma_start3A_607 = tpu.memref_squeeze %dma_start3A_606 : memref<1x80x128xf32, #tpu.memory_space<vmem>> -> memref<80x128xf32, #tpu.memory_space<vmem>>
        %dma_start3A_608 = arith.constant 0 : i32
        %dma_start3A_609 = tpu.memref_slice %arg5[%add3A_601, %dma_start3A_608] : memref<80x80xi32, #tpu.memory_space<vmem>> -> memref<1x80xi32, #tpu.memory_space<vmem>>
        %dma_start3A_610 = tpu.memref_squeeze %dma_start3A_609 : memref<1x80xi32, #tpu.memory_space<vmem>> -> memref<80xi32, #tpu.memory_space<vmem>>
        %dma_start3A_611 = arith.constant 0 : i32
        %dma_start3A_612 = arith.constant 0 : i32
        %dma_start3A_613 = tpu.memref_slice %arg3[%dma_start3A_611, %dma_start3A_612] : memref<100000x128xf32, #tpu.memory_space<hbm>> -> memref<100000x128xf32, #tpu.memory_space<hbm>>
        %dma_start3A_614 = tpu.memref_slice %arg7[%dma_start3A_603] : memref<8x!tpu.dma_semaphore, #tpu.memory_space<semaphore_mem>> -> memref<1x!tpu.dma_semaphore, #tpu.memory_space<semaphore_mem>>
        %dma_start3A_615 = tpu.memref_squeeze %dma_start3A_614 : memref<1x!tpu.dma_semaphore, #tpu.memory_space<semaphore_mem>> -> memref<!tpu.dma_semaphore, #tpu.memory_space<semaphore_mem>>
        tpu.enqueue_indirect_dma source(%dma_start3A_613 : memref<100000x128xf32, #tpu.memory_space<hbm>>) target(%dma_start3A_607 : memref<80x128xf32, #tpu.memory_space<vmem>>) offsets(%dma_start3A_610 : memref<80xi32, #tpu.memory_space<vmem>>) semaphore(%dma_start3A_615 : memref<!tpu.dma_semaphore, #tpu.memory_space<semaphore_mem>>)
      } else {
      }
      %mul3A_210 = arith.constant 80 : i32
      %mul3A_211 = arith.muli %add3A_181, %mul3A_210 : i32
      %add3A_212 = arith.addi %mul3A_2, %mul3A_211 : i32
      %dma_start3A_213 = arith.constant 1 : i32
      %dma_start3A_214 = arith.constant 1 : i32
      %dma_start3A_215 = arith.constant 0 : i32
      %dma_start3A_216 = arith.constant 0 : i32
      %dma_start3A_217 = tpu.memref_slice %arg6[%dma_start3A_213, %dma_start3A_215, %dma_start3A_216] : memref<8x80x128xf32, #tpu.memory_space<vmem>> -> memref<1x80x128xf32, #tpu.memory_space<vmem>>
      %dma_start3A_218 = tpu.memref_squeeze %dma_start3A_217 : memref<1x80x128xf32, #tpu.memory_space<vmem>> -> memref<80x128xf32, #tpu.memory_space<vmem>>
      %dma_start3A_219 = arith.constant 0 : i32
      %dma_start3A_220 = tpu.memref_slice %arg4[%add3A_212, %dma_start3A_219] : memref<204800x128xf32, #tpu.memory_space<hbm>> -> memref<80x128xf32, #tpu.memory_space<hbm>>
      %dma_start3A_221 = tpu.memref_slice %arg8[%dma_start3A_214] : memref<8x!tpu.dma_semaphore, #tpu.memory_space<semaphore_mem>> -> memref<1x!tpu.dma_semaphore, #tpu.memory_space<semaphore_mem>>
      %dma_start3A_222 = tpu.memref_squeeze %dma_start3A_221 : memref<1x!tpu.dma_semaphore, #tpu.memory_space<semaphore_mem>> -> memref<!tpu.dma_semaphore, #tpu.memory_space<semaphore_mem>>
      %dma_start3A_223 = arith.constant 0 : i32
      %dma_start3A_224 = tpu.memref_slice %arg4[%add3A_212, %dma_start3A_223] : memref<204800x128xf32, #tpu.memory_space<hbm>> -> memref<80x128xf32, #tpu.memory_space<hbm>>
      %dma_start3A_225 = arith.constant 0 : i32
      %dma_start3A_226 = arith.constant 0 : i32
      %dma_start3A_227 = tpu.memref_slice %arg6[%dma_start3A_213, %dma_start3A_225, %dma_start3A_226] : memref<8x80x128xf32, #tpu.memory_space<vmem>> -> memref<1x80x128xf32, #tpu.memory_space<vmem>>
      %dma_start3A_228 = tpu.memref_squeeze %dma_start3A_227 : memref<1x80x128xf32, #tpu.memory_space<vmem>> -> memref<80x128xf32, #tpu.memory_space<vmem>>
      tpu.enqueue_dma source(%dma_start3A_228 : memref<80x128xf32, #tpu.memory_space<vmem>>) target(%dma_start3A_224 : memref<80x128xf32, #tpu.memory_space<hbm>>) target_semaphore(%dma_start3A_222 : memref<!tpu.dma_semaphore, #tpu.memory_space<semaphore_mem>>)
      %add3A_229 = arith.constant 2 : i32
      %add3A_230 = arith.addi %mul3A_134, %add3A_229 : i32
      %dma_wait3A_231 = arith.constant 2 : i32
      %dma_wait3A_232 = arith.constant 2 : i32
      %dma_wait3A_233 = arith.constant 0 : i32
      %dma_wait3A_234 = arith.constant 0 : i32
      %dma_wait3A_235 = tpu.memref_slice %arg6[%dma_wait3A_231, %dma_wait3A_233, %dma_wait3A_234] : memref<8x80x128xf32, #tpu.memory_space<vmem>> -> memref<1x80x128xf32, #tpu.memory_space<vmem>>
      %dma_wait3A_236 = tpu.memref_squeeze %dma_wait3A_235 : memref<1x80x128xf32, #tpu.memory_space<vmem>> -> memref<80x128xf32, #tpu.memory_space<vmem>>
      %dma_wait3A_237 = arith.constant 0 : i32
      %dma_wait3A_238 = arith.constant 0 : i32
      %dma_wait3A_239 = tpu.memref_slice %arg3[%dma_wait3A_237, %dma_wait3A_238] : memref<100000x128xf32, #tpu.memory_space<hbm>> -> memref<80x128xf32, #tpu.memory_space<hbm>>
      %dma_wait3A_240 = tpu.memref_slice %arg7[%dma_wait3A_232] : memref<8x!tpu.dma_semaphore, #tpu.memory_space<semaphore_mem>> -> memref<1x!tpu.dma_semaphore, #tpu.memory_space<semaphore_mem>>
      %dma_wait3A_241 = tpu.memref_squeeze %dma_wait3A_240 : memref<1x!tpu.dma_semaphore, #tpu.memory_space<semaphore_mem>> -> memref<!tpu.dma_semaphore, #tpu.memory_space<semaphore_mem>>
      %dma_wait3A_242 = arith.constant 0 : i32
      %dma_wait3A_243 = arith.constant 0 : i32
      %dma_wait3A_244 = tpu.memref_slice %arg6[%dma_wait3A_231, %dma_wait3A_242, %dma_wait3A_243] : memref<8x80x128xf32, #tpu.memory_space<vmem>> -> memref<1x80x128xf32, #tpu.memory_space<vmem>>
      %dma_wait3A_245 = tpu.memref_squeeze %dma_wait3A_244 : memref<1x80x128xf32, #tpu.memory_space<vmem>> -> memref<80x128xf32, #tpu.memory_space<vmem>>
      %dma_wait3A_246 = arith.constant 0 : i32
      %dma_wait3A_247 = arith.constant 0 : i32
      %dma_wait3A_248 = tpu.memref_slice %arg3[%dma_wait3A_246, %dma_wait3A_247] : memref<100000x128xf32, #tpu.memory_space<hbm>> -> memref<80x128xf32, #tpu.memory_space<hbm>>
      tpu.wait_dma2 semaphore(%dma_wait3A_241 : memref<!tpu.dma_semaphore, #tpu.memory_space<semaphore_mem>>) src(%dma_wait3A_248 : memref<80x128xf32, #tpu.memory_space<hbm>>) dst(%dma_wait3A_245 : memref<80x128xf32, #tpu.memory_space<vmem>>)
      %dma_wait3A_249 = arith.constant 0 : i32
      %dma_wait3A_250 = arith.constant 0 : i32
      %dma_wait3A_251 = arith.constant 0 : i32
      %dma_wait3A_252 = arith.constant 0 : i32
      %dma_wait3A_253 = tpu.memref_slice %arg6[%dma_wait3A_249, %dma_wait3A_251, %dma_wait3A_252] : memref<8x80x128xf32, #tpu.memory_space<vmem>> -> memref<1x80x128xf32, #tpu.memory_space<vmem>>
      %dma_wait3A_254 = tpu.memref_squeeze %dma_wait3A_253 : memref<1x80x128xf32, #tpu.memory_space<vmem>> -> memref<80x128xf32, #tpu.memory_space<vmem>>
      %dma_wait3A_255 = arith.constant 0 : i32
      %dma_wait3A_256 = arith.constant 0 : i32
      %dma_wait3A_257 = tpu.memref_slice %arg4[%dma_wait3A_255, %dma_wait3A_256] : memref<204800x128xf32, #tpu.memory_space<hbm>> -> memref<80x128xf32, #tpu.memory_space<hbm>>
      %dma_wait3A_258 = tpu.memref_slice %arg8[%dma_wait3A_250] : memref<8x!tpu.dma_semaphore, #tpu.memory_space<semaphore_mem>> -> memref<1x!tpu.dma_semaphore, #tpu.memory_space<semaphore_mem>>
      %dma_wait3A_259 = tpu.memref_squeeze %dma_wait3A_258 : memref<1x!tpu.dma_semaphore, #tpu.memory_space<semaphore_mem>> -> memref<!tpu.dma_semaphore, #tpu.memory_space<semaphore_mem>>
      %dma_wait3A_260 = arith.constant 0 : i32
      %dma_wait3A_261 = arith.constant 0 : i32
      %dma_wait3A_262 = tpu.memref_slice %arg4[%dma_wait3A_260, %dma_wait3A_261] : memref<204800x128xf32, #tpu.memory_space<hbm>> -> memref<80x128xf32, #tpu.memory_space<hbm>>
      %dma_wait3A_263 = arith.constant 0 : i32
      %dma_wait3A_264 = arith.constant 0 : i32
      %dma_wait3A_265 = tpu.memref_slice %arg6[%dma_wait3A_249, %dma_wait3A_263, %dma_wait3A_264] : memref<8x80x128xf32, #tpu.memory_space<vmem>> -> memref<1x80x128xf32, #tpu.memory_space<vmem>>
      %dma_wait3A_266 = tpu.memref_squeeze %dma_wait3A_265 : memref<1x80x128xf32, #tpu.memory_space<vmem>> -> memref<80x128xf32, #tpu.memory_space<vmem>>
      tpu.wait_dma2 semaphore(%dma_wait3A_259 : memref<!tpu.dma_semaphore, #tpu.memory_space<semaphore_mem>>) src(%dma_wait3A_266 : memref<80x128xf32, #tpu.memory_space<vmem>>) dst(%dma_wait3A_262 : memref<80x128xf32, #tpu.memory_space<hbm>>)
      %lt3A = arith.constant 9 : i32
      %lt3A_267 = arith.cmpi slt, %scan3A_132, %lt3A : i32
      %convert_element_type3A_268 = arith.extui %lt3A_267 : i1 to i32
      %cond3A_269 = arith.constant 0 : i32
      %cond3A_270 = arith.cmpi ne, %convert_element_type3A_268, %cond3A_269 : i32
      scf.if %cond3A_270 {
        %add3A_600 = arith.constant 6 : i32
        %add3A_601 = arith.addi %add3A_230, %add3A_600 : i32
        %dma_start3A_602 = arith.constant 0 : i32
        %dma_start3A_603 = arith.constant 0 : i32
        %dma_start3A_604 = arith.constant 0 : i32
        %dma_start3A_605 = arith.constant 0 : i32
        %dma_start3A_606 = tpu.memref_slice %arg6[%dma_start3A_602, %dma_start3A_604, %dma_start3A_605] : memref<8x80x128xf32, #tpu.memory_space<vmem>> -> memref<1x80x128xf32, #tpu.memory_space<vmem>>
        %dma_start3A_607 = tpu.memref_squeeze %dma_start3A_606 : memref<1x80x128xf32, #tpu.memory_space<vmem>> -> memref<80x128xf32, #tpu.memory_space<vmem>>
        %dma_start3A_608 = arith.constant 0 : i32
        %dma_start3A_609 = tpu.memref_slice %arg5[%add3A_601, %dma_start3A_608] : memref<80x80xi32, #tpu.memory_space<vmem>> -> memref<1x80xi32, #tpu.memory_space<vmem>>
        %dma_start3A_610 = tpu.memref_squeeze %dma_start3A_609 : memref<1x80xi32, #tpu.memory_space<vmem>> -> memref<80xi32, #tpu.memory_space<vmem>>
        %dma_start3A_611 = arith.constant 0 : i32
        %dma_start3A_612 = arith.constant 0 : i32
        %dma_start3A_613 = tpu.memref_slice %arg3[%dma_start3A_611, %dma_start3A_612] : memref<100000x128xf32, #tpu.memory_space<hbm>> -> memref<100000x128xf32, #tpu.memory_space<hbm>>
        %dma_start3A_614 = tpu.memref_slice %arg7[%dma_start3A_603] : memref<8x!tpu.dma_semaphore, #tpu.memory_space<semaphore_mem>> -> memref<1x!tpu.dma_semaphore, #tpu.memory_space<semaphore_mem>>
        %dma_start3A_615 = tpu.memref_squeeze %dma_start3A_614 : memref<1x!tpu.dma_semaphore, #tpu.memory_space<semaphore_mem>> -> memref<!tpu.dma_semaphore, #tpu.memory_space<semaphore_mem>>
        tpu.enqueue_indirect_dma source(%dma_start3A_613 : memref<100000x128xf32, #tpu.memory_space<hbm>>) target(%dma_start3A_607 : memref<80x128xf32, #tpu.memory_space<vmem>>) offsets(%dma_start3A_610 : memref<80xi32, #tpu.memory_space<vmem>>) semaphore(%dma_start3A_615 : memref<!tpu.dma_semaphore, #tpu.memory_space<semaphore_mem>>)
      } else {
      }
      %mul3A_271 = arith.constant 80 : i32
      %mul3A_272 = arith.muli %add3A_230, %mul3A_271 : i32
      %add3A_273 = arith.addi %mul3A_2, %mul3A_272 : i32
      %dma_start3A_274 = arith.constant 2 : i32
      %dma_start3A_275 = arith.constant 2 : i32
      %dma_start3A_276 = arith.constant 0 : i32
      %dma_start3A_277 = arith.constant 0 : i32
      %dma_start3A_278 = tpu.memref_slice %arg6[%dma_start3A_274, %dma_start3A_276, %dma_start3A_277] : memref<8x80x128xf32, #tpu.memory_space<vmem>> -> memref<1x80x128xf32, #tpu.memory_space<vmem>>
      %dma_start3A_279 = tpu.memref_squeeze %dma_start3A_278 : memref<1x80x128xf32, #tpu.memory_space<vmem>> -> memref<80x128xf32, #tpu.memory_space<vmem>>
      %dma_start3A_280 = arith.constant 0 : i32
      %dma_start3A_281 = tpu.memref_slice %arg4[%add3A_273, %dma_start3A_280] : memref<204800x128xf32, #tpu.memory_space<hbm>> -> memref<80x128xf32, #tpu.memory_space<hbm>>
      %dma_start3A_282 = tpu.memref_slice %arg8[%dma_start3A_275] : memref<8x!tpu.dma_semaphore, #tpu.memory_space<semaphore_mem>> -> memref<1x!tpu.dma_semaphore, #tpu.memory_space<semaphore_mem>>
      %dma_start3A_283 = tpu.memref_squeeze %dma_start3A_282 : memref<1x!tpu.dma_semaphore, #tpu.memory_space<semaphore_mem>> -> memref<!tpu.dma_semaphore, #tpu.memory_space<semaphore_mem>>
      %dma_start3A_284 = arith.constant 0 : i32
      %dma_start3A_285 = tpu.memref_slice %arg4[%add3A_273, %dma_start3A_284] : memref<204800x128xf32, #tpu.memory_space<hbm>> -> memref<80x128xf32, #tpu.memory_space<hbm>>
      %dma_start3A_286 = arith.constant 0 : i32
      %dma_start3A_287 = arith.constant 0 : i32
      %dma_start3A_288 = tpu.memref_slice %arg6[%dma_start3A_274, %dma_start3A_286, %dma_start3A_287] : memref<8x80x128xf32, #tpu.memory_space<vmem>> -> memref<1x80x128xf32, #tpu.memory_space<vmem>>
      %dma_start3A_289 = tpu.memref_squeeze %dma_start3A_288 : memref<1x80x128xf32, #tpu.memory_space<vmem>> -> memref<80x128xf32, #tpu.memory_space<vmem>>
      tpu.enqueue_dma source(%dma_start3A_289 : memref<80x128xf32, #tpu.memory_space<vmem>>) target(%dma_start3A_285 : memref<80x128xf32, #tpu.memory_space<hbm>>) target_semaphore(%dma_start3A_283 : memref<!tpu.dma_semaphore, #tpu.memory_space<semaphore_mem>>)
      %add3A_290 = arith.constant 3 : i32
      %add3A_291 = arith.addi %mul3A_134, %add3A_290 : i32
      %dma_wait3A_292 = arith.constant 3 : i32
      %dma_wait3A_293 = arith.constant 3 : i32
      %dma_wait3A_294 = arith.constant 0 : i32
      %dma_wait3A_295 = arith.constant 0 : i32
      %dma_wait3A_296 = tpu.memref_slice %arg6[%dma_wait3A_292, %dma_wait3A_294, %dma_wait3A_295] : memref<8x80x128xf32, #tpu.memory_space<vmem>> -> memref<1x80x128xf32, #tpu.memory_space<vmem>>
      %dma_wait3A_297 = tpu.memref_squeeze %dma_wait3A_296 : memref<1x80x128xf32, #tpu.memory_space<vmem>> -> memref<80x128xf32, #tpu.memory_space<vmem>>
      %dma_wait3A_298 = arith.constant 0 : i32
      %dma_wait3A_299 = arith.constant 0 : i32
      %dma_wait3A_300 = tpu.memref_slice %arg3[%dma_wait3A_298, %dma_wait3A_299] : memref<100000x128xf32, #tpu.memory_space<hbm>> -> memref<80x128xf32, #tpu.memory_space<hbm>>
      %dma_wait3A_301 = tpu.memref_slice %arg7[%dma_wait3A_293] : memref<8x!tpu.dma_semaphore, #tpu.memory_space<semaphore_mem>> -> memref<1x!tpu.dma_semaphore, #tpu.memory_space<semaphore_mem>>
      %dma_wait3A_302 = tpu.memref_squeeze %dma_wait3A_301 : memref<1x!tpu.dma_semaphore, #tpu.memory_space<semaphore_mem>> -> memref<!tpu.dma_semaphore, #tpu.memory_space<semaphore_mem>>
      %dma_wait3A_303 = arith.constant 0 : i32
      %dma_wait3A_304 = arith.constant 0 : i32
      %dma_wait3A_305 = tpu.memref_slice %arg6[%dma_wait3A_292, %dma_wait3A_303, %dma_wait3A_304] : memref<8x80x128xf32, #tpu.memory_space<vmem>> -> memref<1x80x128xf32, #tpu.memory_space<vmem>>
      %dma_wait3A_306 = tpu.memref_squeeze %dma_wait3A_305 : memref<1x80x128xf32, #tpu.memory_space<vmem>> -> memref<80x128xf32, #tpu.memory_space<vmem>>
      %dma_wait3A_307 = arith.constant 0 : i32
      %dma_wait3A_308 = arith.constant 0 : i32
      %dma_wait3A_309 = tpu.memref_slice %arg3[%dma_wait3A_307, %dma_wait3A_308] : memref<100000x128xf32, #tpu.memory_space<hbm>> -> memref<80x128xf32, #tpu.memory_space<hbm>>
      tpu.wait_dma2 semaphore(%dma_wait3A_302 : memref<!tpu.dma_semaphore, #tpu.memory_space<semaphore_mem>>) src(%dma_wait3A_309 : memref<80x128xf32, #tpu.memory_space<hbm>>) dst(%dma_wait3A_306 : memref<80x128xf32, #tpu.memory_space<vmem>>)
      %dma_wait3A_310 = arith.constant 1 : i32
      %dma_wait3A_311 = arith.constant 1 : i32
      %dma_wait3A_312 = arith.constant 0 : i32
      %dma_wait3A_313 = arith.constant 0 : i32
      %dma_wait3A_314 = tpu.memref_slice %arg6[%dma_wait3A_310, %dma_wait3A_312, %dma_wait3A_313] : memref<8x80x128xf32, #tpu.memory_space<vmem>> -> memref<1x80x128xf32, #tpu.memory_space<vmem>>
      %dma_wait3A_315 = tpu.memref_squeeze %dma_wait3A_314 : memref<1x80x128xf32, #tpu.memory_space<vmem>> -> memref<80x128xf32, #tpu.memory_space<vmem>>
      %dma_wait3A_316 = arith.constant 0 : i32
      %dma_wait3A_317 = arith.constant 0 : i32
      %dma_wait3A_318 = tpu.memref_slice %arg4[%dma_wait3A_316, %dma_wait3A_317] : memref<204800x128xf32, #tpu.memory_space<hbm>> -> memref<80x128xf32, #tpu.memory_space<hbm>>
      %dma_wait3A_319 = tpu.memref_slice %arg8[%dma_wait3A_311] : memref<8x!tpu.dma_semaphore, #tpu.memory_space<semaphore_mem>> -> memref<1x!tpu.dma_semaphore, #tpu.memory_space<semaphore_mem>>
      %dma_wait3A_320 = tpu.memref_squeeze %dma_wait3A_319 : memref<1x!tpu.dma_semaphore, #tpu.memory_space<semaphore_mem>> -> memref<!tpu.dma_semaphore, #tpu.memory_space<semaphore_mem>>
      %dma_wait3A_321 = arith.constant 0 : i32
      %dma_wait3A_322 = arith.constant 0 : i32
      %dma_wait3A_323 = tpu.memref_slice %arg4[%dma_wait3A_321, %dma_wait3A_322] : memref<204800x128xf32, #tpu.memory_space<hbm>> -> memref<80x128xf32, #tpu.memory_space<hbm>>
      %dma_wait3A_324 = arith.constant 0 : i32
      %dma_wait3A_325 = arith.constant 0 : i32
      %dma_wait3A_326 = tpu.memref_slice %arg6[%dma_wait3A_310, %dma_wait3A_324, %dma_wait3A_325] : memref<8x80x128xf32, #tpu.memory_space<vmem>> -> memref<1x80x128xf32, #tpu.memory_space<vmem>>
      %dma_wait3A_327 = tpu.memref_squeeze %dma_wait3A_326 : memref<1x80x128xf32, #tpu.memory_space<vmem>> -> memref<80x128xf32, #tpu.memory_space<vmem>>
      tpu.wait_dma2 semaphore(%dma_wait3A_320 : memref<!tpu.dma_semaphore, #tpu.memory_space<semaphore_mem>>) src(%dma_wait3A_327 : memref<80x128xf32, #tpu.memory_space<vmem>>) dst(%dma_wait3A_323 : memref<80x128xf32, #tpu.memory_space<hbm>>)
      %lt3A_328 = arith.constant 9 : i32
      %lt3A_329 = arith.cmpi slt, %scan3A_132, %lt3A_328 : i32
      %convert_element_type3A_330 = arith.extui %lt3A_329 : i1 to i32
      %cond3A_331 = arith.constant 0 : i32
      %cond3A_332 = arith.cmpi ne, %convert_element_type3A_330, %cond3A_331 : i32
      scf.if %cond3A_332 {
        %add3A_600 = arith.constant 6 : i32
        %add3A_601 = arith.addi %add3A_291, %add3A_600 : i32
        %dma_start3A_602 = arith.constant 1 : i32
        %dma_start3A_603 = arith.constant 1 : i32
        %dma_start3A_604 = arith.constant 0 : i32
        %dma_start3A_605 = arith.constant 0 : i32
        %dma_start3A_606 = tpu.memref_slice %arg6[%dma_start3A_602, %dma_start3A_604, %dma_start3A_605] : memref<8x80x128xf32, #tpu.memory_space<vmem>> -> memref<1x80x128xf32, #tpu.memory_space<vmem>>
        %dma_start3A_607 = tpu.memref_squeeze %dma_start3A_606 : memref<1x80x128xf32, #tpu.memory_space<vmem>> -> memref<80x128xf32, #tpu.memory_space<vmem>>
        %dma_start3A_608 = arith.constant 0 : i32
        %dma_start3A_609 = tpu.memref_slice %arg5[%add3A_601, %dma_start3A_608] : memref<80x80xi32, #tpu.memory_space<vmem>> -> memref<1x80xi32, #tpu.memory_space<vmem>>
        %dma_start3A_610 = tpu.memref_squeeze %dma_start3A_609 : memref<1x80xi32, #tpu.memory_space<vmem>> -> memref<80xi32, #tpu.memory_space<vmem>>
        %dma_start3A_611 = arith.constant 0 : i32
        %dma_start3A_612 = arith.constant 0 : i32
        %dma_start3A_613 = tpu.memref_slice %arg3[%dma_start3A_611, %dma_start3A_612] : memref<100000x128xf32, #tpu.memory_space<hbm>> -> memref<100000x128xf32, #tpu.memory_space<hbm>>
        %dma_start3A_614 = tpu.memref_slice %arg7[%dma_start3A_603] : memref<8x!tpu.dma_semaphore, #tpu.memory_space<semaphore_mem>> -> memref<1x!tpu.dma_semaphore, #tpu.memory_space<semaphore_mem>>
        %dma_start3A_615 = tpu.memref_squeeze %dma_start3A_614 : memref<1x!tpu.dma_semaphore, #tpu.memory_space<semaphore_mem>> -> memref<!tpu.dma_semaphore, #tpu.memory_space<semaphore_mem>>
        tpu.enqueue_indirect_dma source(%dma_start3A_613 : memref<100000x128xf32, #tpu.memory_space<hbm>>) target(%dma_start3A_607 : memref<80x128xf32, #tpu.memory_space<vmem>>) offsets(%dma_start3A_610 : memref<80xi32, #tpu.memory_space<vmem>>) semaphore(%dma_start3A_615 : memref<!tpu.dma_semaphore, #tpu.memory_space<semaphore_mem>>)
      } else {
      }
      %mul3A_333 = arith.constant 80 : i32
      %mul3A_334 = arith.muli %add3A_291, %mul3A_333 : i32
      %add3A_335 = arith.addi %mul3A_2, %mul3A_334 : i32
      %dma_start3A_336 = arith.constant 3 : i32
      %dma_start3A_337 = arith.constant 3 : i32
      %dma_start3A_338 = arith.constant 0 : i32
      %dma_start3A_339 = arith.constant 0 : i32
      %dma_start3A_340 = tpu.memref_slice %arg6[%dma_start3A_336, %dma_start3A_338, %dma_start3A_339] : memref<8x80x128xf32, #tpu.memory_space<vmem>> -> memref<1x80x128xf32, #tpu.memory_space<vmem>>
      %dma_start3A_341 = tpu.memref_squeeze %dma_start3A_340 : memref<1x80x128xf32, #tpu.memory_space<vmem>> -> memref<80x128xf32, #tpu.memory_space<vmem>>
      %dma_start3A_342 = arith.constant 0 : i32
      %dma_start3A_343 = tpu.memref_slice %arg4[%add3A_335, %dma_start3A_342] : memref<204800x128xf32, #tpu.memory_space<hbm>> -> memref<80x128xf32, #tpu.memory_space<hbm>>
      %dma_start3A_344 = tpu.memref_slice %arg8[%dma_start3A_337] : memref<8x!tpu.dma_semaphore, #tpu.memory_space<semaphore_mem>> -> memref<1x!tpu.dma_semaphore, #tpu.memory_space<semaphore_mem>>
      %dma_start3A_345 = tpu.memref_squeeze %dma_start3A_344 : memref<1x!tpu.dma_semaphore, #tpu.memory_space<semaphore_mem>> -> memref<!tpu.dma_semaphore, #tpu.memory_space<semaphore_mem>>
      %dma_start3A_346 = arith.constant 0 : i32
      %dma_start3A_347 = tpu.memref_slice %arg4[%add3A_335, %dma_start3A_346] : memref<204800x128xf32, #tpu.memory_space<hbm>> -> memref<80x128xf32, #tpu.memory_space<hbm>>
      %dma_start3A_348 = arith.constant 0 : i32
      %dma_start3A_349 = arith.constant 0 : i32
      %dma_start3A_350 = tpu.memref_slice %arg6[%dma_start3A_336, %dma_start3A_348, %dma_start3A_349] : memref<8x80x128xf32, #tpu.memory_space<vmem>> -> memref<1x80x128xf32, #tpu.memory_space<vmem>>
      %dma_start3A_351 = tpu.memref_squeeze %dma_start3A_350 : memref<1x80x128xf32, #tpu.memory_space<vmem>> -> memref<80x128xf32, #tpu.memory_space<vmem>>
      tpu.enqueue_dma source(%dma_start3A_351 : memref<80x128xf32, #tpu.memory_space<vmem>>) target(%dma_start3A_347 : memref<80x128xf32, #tpu.memory_space<hbm>>) target_semaphore(%dma_start3A_345 : memref<!tpu.dma_semaphore, #tpu.memory_space<semaphore_mem>>)
      %add3A_352 = arith.constant 4 : i32
      %add3A_353 = arith.addi %mul3A_134, %add3A_352 : i32
      %dma_wait3A_354 = arith.constant 4 : i32
      %dma_wait3A_355 = arith.constant 4 : i32
      %dma_wait3A_356 = arith.constant 0 : i32
      %dma_wait3A_357 = arith.constant 0 : i32
      %dma_wait3A_358 = tpu.memref_slice %arg6[%dma_wait3A_354, %dma_wait3A_356, %dma_wait3A_357] : memref<8x80x128xf32, #tpu.memory_space<vmem>> -> memref<1x80x128xf32, #tpu.memory_space<vmem>>
      %dma_wait3A_359 = tpu.memref_squeeze %dma_wait3A_358 : memref<1x80x128xf32, #tpu.memory_space<vmem>> -> memref<80x128xf32, #tpu.memory_space<vmem>>
      %dma_wait3A_360 = arith.constant 0 : i32
      %dma_wait3A_361 = arith.constant 0 : i32
      %dma_wait3A_362 = tpu.memref_slice %arg3[%dma_wait3A_360, %dma_wait3A_361] : memref<100000x128xf32, #tpu.memory_space<hbm>> -> memref<80x128xf32, #tpu.memory_space<hbm>>
      %dma_wait3A_363 = tpu.memref_slice %arg7[%dma_wait3A_355] : memref<8x!tpu.dma_semaphore, #tpu.memory_space<semaphore_mem>> -> memref<1x!tpu.dma_semaphore, #tpu.memory_space<semaphore_mem>>
      %dma_wait3A_364 = tpu.memref_squeeze %dma_wait3A_363 : memref<1x!tpu.dma_semaphore, #tpu.memory_space<semaphore_mem>> -> memref<!tpu.dma_semaphore, #tpu.memory_space<semaphore_mem>>
      %dma_wait3A_365 = arith.constant 0 : i32
      %dma_wait3A_366 = arith.constant 0 : i32
      %dma_wait3A_367 = tpu.memref_slice %arg6[%dma_wait3A_354, %dma_wait3A_365, %dma_wait3A_366] : memref<8x80x128xf32, #tpu.memory_space<vmem>> -> memref<1x80x128xf32, #tpu.memory_space<vmem>>
      %dma_wait3A_368 = tpu.memref_squeeze %dma_wait3A_367 : memref<1x80x128xf32, #tpu.memory_space<vmem>> -> memref<80x128xf32, #tpu.memory_space<vmem>>
      %dma_wait3A_369 = arith.constant 0 : i32
      %dma_wait3A_370 = arith.constant 0 : i32
      %dma_wait3A_371 = tpu.memref_slice %arg3[%dma_wait3A_369, %dma_wait3A_370] : memref<100000x128xf32, #tpu.memory_space<hbm>> -> memref<80x128xf32, #tpu.memory_space<hbm>>
      tpu.wait_dma2 semaphore(%dma_wait3A_364 : memref<!tpu.dma_semaphore, #tpu.memory_space<semaphore_mem>>) src(%dma_wait3A_371 : memref<80x128xf32, #tpu.memory_space<hbm>>) dst(%dma_wait3A_368 : memref<80x128xf32, #tpu.memory_space<vmem>>)
      %dma_wait3A_372 = arith.constant 2 : i32
      %dma_wait3A_373 = arith.constant 2 : i32
      %dma_wait3A_374 = arith.constant 0 : i32
      %dma_wait3A_375 = arith.constant 0 : i32
      %dma_wait3A_376 = tpu.memref_slice %arg6[%dma_wait3A_372, %dma_wait3A_374, %dma_wait3A_375] : memref<8x80x128xf32, #tpu.memory_space<vmem>> -> memref<1x80x128xf32, #tpu.memory_space<vmem>>
      %dma_wait3A_377 = tpu.memref_squeeze %dma_wait3A_376 : memref<1x80x128xf32, #tpu.memory_space<vmem>> -> memref<80x128xf32, #tpu.memory_space<vmem>>
      %dma_wait3A_378 = arith.constant 0 : i32
      %dma_wait3A_379 = arith.constant 0 : i32
      %dma_wait3A_380 = tpu.memref_slice %arg4[%dma_wait3A_378, %dma_wait3A_379] : memref<204800x128xf32, #tpu.memory_space<hbm>> -> memref<80x128xf32, #tpu.memory_space<hbm>>
      %dma_wait3A_381 = tpu.memref_slice %arg8[%dma_wait3A_373] : memref<8x!tpu.dma_semaphore, #tpu.memory_space<semaphore_mem>> -> memref<1x!tpu.dma_semaphore, #tpu.memory_space<semaphore_mem>>
      %dma_wait3A_382 = tpu.memref_squeeze %dma_wait3A_381 : memref<1x!tpu.dma_semaphore, #tpu.memory_space<semaphore_mem>> -> memref<!tpu.dma_semaphore, #tpu.memory_space<semaphore_mem>>
      %dma_wait3A_383 = arith.constant 0 : i32
      %dma_wait3A_384 = arith.constant 0 : i32
      %dma_wait3A_385 = tpu.memref_slice %arg4[%dma_wait3A_383, %dma_wait3A_384] : memref<204800x128xf32, #tpu.memory_space<hbm>> -> memref<80x128xf32, #tpu.memory_space<hbm>>
      %dma_wait3A_386 = arith.constant 0 : i32
      %dma_wait3A_387 = arith.constant 0 : i32
      %dma_wait3A_388 = tpu.memref_slice %arg6[%dma_wait3A_372, %dma_wait3A_386, %dma_wait3A_387] : memref<8x80x128xf32, #tpu.memory_space<vmem>> -> memref<1x80x128xf32, #tpu.memory_space<vmem>>
      %dma_wait3A_389 = tpu.memref_squeeze %dma_wait3A_388 : memref<1x80x128xf32, #tpu.memory_space<vmem>> -> memref<80x128xf32, #tpu.memory_space<vmem>>
      tpu.wait_dma2 semaphore(%dma_wait3A_382 : memref<!tpu.dma_semaphore, #tpu.memory_space<semaphore_mem>>) src(%dma_wait3A_389 : memref<80x128xf32, #tpu.memory_space<vmem>>) dst(%dma_wait3A_385 : memref<80x128xf32, #tpu.memory_space<hbm>>)
      %lt3A_390 = arith.constant 9 : i32
      %lt3A_391 = arith.cmpi slt, %scan3A_132, %lt3A_390 : i32
      %convert_element_type3A_392 = arith.extui %lt3A_391 : i1 to i32
      %cond3A_393 = arith.constant 0 : i32
      %cond3A_394 = arith.cmpi ne, %convert_element_type3A_392, %cond3A_393 : i32
      scf.if %cond3A_394 {
        %add3A_600 = arith.constant 6 : i32
        %add3A_601 = arith.addi %add3A_353, %add3A_600 : i32
        %dma_start3A_602 = arith.constant 2 : i32
        %dma_start3A_603 = arith.constant 2 : i32
        %dma_start3A_604 = arith.constant 0 : i32
        %dma_start3A_605 = arith.constant 0 : i32
        %dma_start3A_606 = tpu.memref_slice %arg6[%dma_start3A_602, %dma_start3A_604, %dma_start3A_605] : memref<8x80x128xf32, #tpu.memory_space<vmem>> -> memref<1x80x128xf32, #tpu.memory_space<vmem>>
        %dma_start3A_607 = tpu.memref_squeeze %dma_start3A_606 : memref<1x80x128xf32, #tpu.memory_space<vmem>> -> memref<80x128xf32, #tpu.memory_space<vmem>>
        %dma_start3A_608 = arith.constant 0 : i32
        %dma_start3A_609 = tpu.memref_slice %arg5[%add3A_601, %dma_start3A_608] : memref<80x80xi32, #tpu.memory_space<vmem>> -> memref<1x80xi32, #tpu.memory_space<vmem>>
        %dma_start3A_610 = tpu.memref_squeeze %dma_start3A_609 : memref<1x80xi32, #tpu.memory_space<vmem>> -> memref<80xi32, #tpu.memory_space<vmem>>
        %dma_start3A_611 = arith.constant 0 : i32
        %dma_start3A_612 = arith.constant 0 : i32
        %dma_start3A_613 = tpu.memref_slice %arg3[%dma_start3A_611, %dma_start3A_612] : memref<100000x128xf32, #tpu.memory_space<hbm>> -> memref<100000x128xf32, #tpu.memory_space<hbm>>
        %dma_start3A_614 = tpu.memref_slice %arg7[%dma_start3A_603] : memref<8x!tpu.dma_semaphore, #tpu.memory_space<semaphore_mem>> -> memref<1x!tpu.dma_semaphore, #tpu.memory_space<semaphore_mem>>
        %dma_start3A_615 = tpu.memref_squeeze %dma_start3A_614 : memref<1x!tpu.dma_semaphore, #tpu.memory_space<semaphore_mem>> -> memref<!tpu.dma_semaphore, #tpu.memory_space<semaphore_mem>>
        tpu.enqueue_indirect_dma source(%dma_start3A_613 : memref<100000x128xf32, #tpu.memory_space<hbm>>) target(%dma_start3A_607 : memref<80x128xf32, #tpu.memory_space<vmem>>) offsets(%dma_start3A_610 : memref<80xi32, #tpu.memory_space<vmem>>) semaphore(%dma_start3A_615 : memref<!tpu.dma_semaphore, #tpu.memory_space<semaphore_mem>>)
      } else {
      }
      %mul3A_395 = arith.constant 80 : i32
      %mul3A_396 = arith.muli %add3A_353, %mul3A_395 : i32
      %add3A_397 = arith.addi %mul3A_2, %mul3A_396 : i32
      %dma_start3A_398 = arith.constant 4 : i32
      %dma_start3A_399 = arith.constant 4 : i32
      %dma_start3A_400 = arith.constant 0 : i32
      %dma_start3A_401 = arith.constant 0 : i32
      %dma_start3A_402 = tpu.memref_slice %arg6[%dma_start3A_398, %dma_start3A_400, %dma_start3A_401] : memref<8x80x128xf32, #tpu.memory_space<vmem>> -> memref<1x80x128xf32, #tpu.memory_space<vmem>>
      %dma_start3A_403 = tpu.memref_squeeze %dma_start3A_402 : memref<1x80x128xf32, #tpu.memory_space<vmem>> -> memref<80x128xf32, #tpu.memory_space<vmem>>
      %dma_start3A_404 = arith.constant 0 : i32
      %dma_start3A_405 = tpu.memref_slice %arg4[%add3A_397, %dma_start3A_404] : memref<204800x128xf32, #tpu.memory_space<hbm>> -> memref<80x128xf32, #tpu.memory_space<hbm>>
      %dma_start3A_406 = tpu.memref_slice %arg8[%dma_start3A_399] : memref<8x!tpu.dma_semaphore, #tpu.memory_space<semaphore_mem>> -> memref<1x!tpu.dma_semaphore, #tpu.memory_space<semaphore_mem>>
      %dma_start3A_407 = tpu.memref_squeeze %dma_start3A_406 : memref<1x!tpu.dma_semaphore, #tpu.memory_space<semaphore_mem>> -> memref<!tpu.dma_semaphore, #tpu.memory_space<semaphore_mem>>
      %dma_start3A_408 = arith.constant 0 : i32
      %dma_start3A_409 = tpu.memref_slice %arg4[%add3A_397, %dma_start3A_408] : memref<204800x128xf32, #tpu.memory_space<hbm>> -> memref<80x128xf32, #tpu.memory_space<hbm>>
      %dma_start3A_410 = arith.constant 0 : i32
      %dma_start3A_411 = arith.constant 0 : i32
      %dma_start3A_412 = tpu.memref_slice %arg6[%dma_start3A_398, %dma_start3A_410, %dma_start3A_411] : memref<8x80x128xf32, #tpu.memory_space<vmem>> -> memref<1x80x128xf32, #tpu.memory_space<vmem>>
      %dma_start3A_413 = tpu.memref_squeeze %dma_start3A_412 : memref<1x80x128xf32, #tpu.memory_space<vmem>> -> memref<80x128xf32, #tpu.memory_space<vmem>>
      tpu.enqueue_dma source(%dma_start3A_413 : memref<80x128xf32, #tpu.memory_space<vmem>>) target(%dma_start3A_409 : memref<80x128xf32, #tpu.memory_space<hbm>>) target_semaphore(%dma_start3A_407 : memref<!tpu.dma_semaphore, #tpu.memory_space<semaphore_mem>>)
      %add3A_414 = arith.constant 5 : i32
      %add3A_415 = arith.addi %mul3A_134, %add3A_414 : i32
      %dma_wait3A_416 = arith.constant 5 : i32
      %dma_wait3A_417 = arith.constant 5 : i32
      %dma_wait3A_418 = arith.constant 0 : i32
      %dma_wait3A_419 = arith.constant 0 : i32
      %dma_wait3A_420 = tpu.memref_slice %arg6[%dma_wait3A_416, %dma_wait3A_418, %dma_wait3A_419] : memref<8x80x128xf32, #tpu.memory_space<vmem>> -> memref<1x80x128xf32, #tpu.memory_space<vmem>>
      %dma_wait3A_421 = tpu.memref_squeeze %dma_wait3A_420 : memref<1x80x128xf32, #tpu.memory_space<vmem>> -> memref<80x128xf32, #tpu.memory_space<vmem>>
      %dma_wait3A_422 = arith.constant 0 : i32
      %dma_wait3A_423 = arith.constant 0 : i32
      %dma_wait3A_424 = tpu.memref_slice %arg3[%dma_wait3A_422, %dma_wait3A_423] : memref<100000x128xf32, #tpu.memory_space<hbm>> -> memref<80x128xf32, #tpu.memory_space<hbm>>
      %dma_wait3A_425 = tpu.memref_slice %arg7[%dma_wait3A_417] : memref<8x!tpu.dma_semaphore, #tpu.memory_space<semaphore_mem>> -> memref<1x!tpu.dma_semaphore, #tpu.memory_space<semaphore_mem>>
      %dma_wait3A_426 = tpu.memref_squeeze %dma_wait3A_425 : memref<1x!tpu.dma_semaphore, #tpu.memory_space<semaphore_mem>> -> memref<!tpu.dma_semaphore, #tpu.memory_space<semaphore_mem>>
      %dma_wait3A_427 = arith.constant 0 : i32
      %dma_wait3A_428 = arith.constant 0 : i32
      %dma_wait3A_429 = tpu.memref_slice %arg6[%dma_wait3A_416, %dma_wait3A_427, %dma_wait3A_428] : memref<8x80x128xf32, #tpu.memory_space<vmem>> -> memref<1x80x128xf32, #tpu.memory_space<vmem>>
      %dma_wait3A_430 = tpu.memref_squeeze %dma_wait3A_429 : memref<1x80x128xf32, #tpu.memory_space<vmem>> -> memref<80x128xf32, #tpu.memory_space<vmem>>
      %dma_wait3A_431 = arith.constant 0 : i32
      %dma_wait3A_432 = arith.constant 0 : i32
      %dma_wait3A_433 = tpu.memref_slice %arg3[%dma_wait3A_431, %dma_wait3A_432] : memref<100000x128xf32, #tpu.memory_space<hbm>> -> memref<80x128xf32, #tpu.memory_space<hbm>>
      tpu.wait_dma2 semaphore(%dma_wait3A_426 : memref<!tpu.dma_semaphore, #tpu.memory_space<semaphore_mem>>) src(%dma_wait3A_433 : memref<80x128xf32, #tpu.memory_space<hbm>>) dst(%dma_wait3A_430 : memref<80x128xf32, #tpu.memory_space<vmem>>)
      %dma_wait3A_434 = arith.constant 3 : i32
      %dma_wait3A_435 = arith.constant 3 : i32
      %dma_wait3A_436 = arith.constant 0 : i32
      %dma_wait3A_437 = arith.constant 0 : i32
      %dma_wait3A_438 = tpu.memref_slice %arg6[%dma_wait3A_434, %dma_wait3A_436, %dma_wait3A_437] : memref<8x80x128xf32, #tpu.memory_space<vmem>> -> memref<1x80x128xf32, #tpu.memory_space<vmem>>
      %dma_wait3A_439 = tpu.memref_squeeze %dma_wait3A_438 : memref<1x80x128xf32, #tpu.memory_space<vmem>> -> memref<80x128xf32, #tpu.memory_space<vmem>>
      %dma_wait3A_440 = arith.constant 0 : i32
      %dma_wait3A_441 = arith.constant 0 : i32
      %dma_wait3A_442 = tpu.memref_slice %arg4[%dma_wait3A_440, %dma_wait3A_441] : memref<204800x128xf32, #tpu.memory_space<hbm>> -> memref<80x128xf32, #tpu.memory_space<hbm>>
      %dma_wait3A_443 = tpu.memref_slice %arg8[%dma_wait3A_435] : memref<8x!tpu.dma_semaphore, #tpu.memory_space<semaphore_mem>> -> memref<1x!tpu.dma_semaphore, #tpu.memory_space<semaphore_mem>>
      %dma_wait3A_444 = tpu.memref_squeeze %dma_wait3A_443 : memref<1x!tpu.dma_semaphore, #tpu.memory_space<semaphore_mem>> -> memref<!tpu.dma_semaphore, #tpu.memory_space<semaphore_mem>>
      %dma_wait3A_445 = arith.constant 0 : i32
      %dma_wait3A_446 = arith.constant 0 : i32
      %dma_wait3A_447 = tpu.memref_slice %arg4[%dma_wait3A_445, %dma_wait3A_446] : memref<204800x128xf32, #tpu.memory_space<hbm>> -> memref<80x128xf32, #tpu.memory_space<hbm>>
      %dma_wait3A_448 = arith.constant 0 : i32
      %dma_wait3A_449 = arith.constant 0 : i32
      %dma_wait3A_450 = tpu.memref_slice %arg6[%dma_wait3A_434, %dma_wait3A_448, %dma_wait3A_449] : memref<8x80x128xf32, #tpu.memory_space<vmem>> -> memref<1x80x128xf32, #tpu.memory_space<vmem>>
      %dma_wait3A_451 = tpu.memref_squeeze %dma_wait3A_450 : memref<1x80x128xf32, #tpu.memory_space<vmem>> -> memref<80x128xf32, #tpu.memory_space<vmem>>
      tpu.wait_dma2 semaphore(%dma_wait3A_444 : memref<!tpu.dma_semaphore, #tpu.memory_space<semaphore_mem>>) src(%dma_wait3A_451 : memref<80x128xf32, #tpu.memory_space<vmem>>) dst(%dma_wait3A_447 : memref<80x128xf32, #tpu.memory_space<hbm>>)
      %lt3A_452 = arith.constant 9 : i32
      %lt3A_453 = arith.cmpi slt, %scan3A_132, %lt3A_452 : i32
      %convert_element_type3A_454 = arith.extui %lt3A_453 : i1 to i32
      %cond3A_455 = arith.constant 0 : i32
      %cond3A_456 = arith.cmpi ne, %convert_element_type3A_454, %cond3A_455 : i32
      scf.if %cond3A_456 {
        %add3A_600 = arith.constant 6 : i32
        %add3A_601 = arith.addi %add3A_415, %add3A_600 : i32
        %dma_start3A_602 = arith.constant 3 : i32
        %dma_start3A_603 = arith.constant 3 : i32
        %dma_start3A_604 = arith.constant 0 : i32
        %dma_start3A_605 = arith.constant 0 : i32
        %dma_start3A_606 = tpu.memref_slice %arg6[%dma_start3A_602, %dma_start3A_604, %dma_start3A_605] : memref<8x80x128xf32, #tpu.memory_space<vmem>> -> memref<1x80x128xf32, #tpu.memory_space<vmem>>
        %dma_start3A_607 = tpu.memref_squeeze %dma_start3A_606 : memref<1x80x128xf32, #tpu.memory_space<vmem>> -> memref<80x128xf32, #tpu.memory_space<vmem>>
        %dma_start3A_608 = arith.constant 0 : i32
        %dma_start3A_609 = tpu.memref_slice %arg5[%add3A_601, %dma_start3A_608] : memref<80x80xi32, #tpu.memory_space<vmem>> -> memref<1x80xi32, #tpu.memory_space<vmem>>
        %dma_start3A_610 = tpu.memref_squeeze %dma_start3A_609 : memref<1x80xi32, #tpu.memory_space<vmem>> -> memref<80xi32, #tpu.memory_space<vmem>>
        %dma_start3A_611 = arith.constant 0 : i32
        %dma_start3A_612 = arith.constant 0 : i32
        %dma_start3A_613 = tpu.memref_slice %arg3[%dma_start3A_611, %dma_start3A_612] : memref<100000x128xf32, #tpu.memory_space<hbm>> -> memref<100000x128xf32, #tpu.memory_space<hbm>>
        %dma_start3A_614 = tpu.memref_slice %arg7[%dma_start3A_603] : memref<8x!tpu.dma_semaphore, #tpu.memory_space<semaphore_mem>> -> memref<1x!tpu.dma_semaphore, #tpu.memory_space<semaphore_mem>>
        %dma_start3A_615 = tpu.memref_squeeze %dma_start3A_614 : memref<1x!tpu.dma_semaphore, #tpu.memory_space<semaphore_mem>> -> memref<!tpu.dma_semaphore, #tpu.memory_space<semaphore_mem>>
        tpu.enqueue_indirect_dma source(%dma_start3A_613 : memref<100000x128xf32, #tpu.memory_space<hbm>>) target(%dma_start3A_607 : memref<80x128xf32, #tpu.memory_space<vmem>>) offsets(%dma_start3A_610 : memref<80xi32, #tpu.memory_space<vmem>>) semaphore(%dma_start3A_615 : memref<!tpu.dma_semaphore, #tpu.memory_space<semaphore_mem>>)
      } else {
      }
      %mul3A_457 = arith.constant 80 : i32
      %mul3A_458 = arith.muli %add3A_415, %mul3A_457 : i32
      %add3A_459 = arith.addi %mul3A_2, %mul3A_458 : i32
      %dma_start3A_460 = arith.constant 5 : i32
      %dma_start3A_461 = arith.constant 5 : i32
      %dma_start3A_462 = arith.constant 0 : i32
      %dma_start3A_463 = arith.constant 0 : i32
      %dma_start3A_464 = tpu.memref_slice %arg6[%dma_start3A_460, %dma_start3A_462, %dma_start3A_463] : memref<8x80x128xf32, #tpu.memory_space<vmem>> -> memref<1x80x128xf32, #tpu.memory_space<vmem>>
      %dma_start3A_465 = tpu.memref_squeeze %dma_start3A_464 : memref<1x80x128xf32, #tpu.memory_space<vmem>> -> memref<80x128xf32, #tpu.memory_space<vmem>>
      %dma_start3A_466 = arith.constant 0 : i32
      %dma_start3A_467 = tpu.memref_slice %arg4[%add3A_459, %dma_start3A_466] : memref<204800x128xf32, #tpu.memory_space<hbm>> -> memref<80x128xf32, #tpu.memory_space<hbm>>
      %dma_start3A_468 = tpu.memref_slice %arg8[%dma_start3A_461] : memref<8x!tpu.dma_semaphore, #tpu.memory_space<semaphore_mem>> -> memref<1x!tpu.dma_semaphore, #tpu.memory_space<semaphore_mem>>
      %dma_start3A_469 = tpu.memref_squeeze %dma_start3A_468 : memref<1x!tpu.dma_semaphore, #tpu.memory_space<semaphore_mem>> -> memref<!tpu.dma_semaphore, #tpu.memory_space<semaphore_mem>>
      %dma_start3A_470 = arith.constant 0 : i32
      %dma_start3A_471 = tpu.memref_slice %arg4[%add3A_459, %dma_start3A_470] : memref<204800x128xf32, #tpu.memory_space<hbm>> -> memref<80x128xf32, #tpu.memory_space<hbm>>
      %dma_start3A_472 = arith.constant 0 : i32
      %dma_start3A_473 = arith.constant 0 : i32
      %dma_start3A_474 = tpu.memref_slice %arg6[%dma_start3A_460, %dma_start3A_472, %dma_start3A_473] : memref<8x80x128xf32, #tpu.memory_space<vmem>> -> memref<1x80x128xf32, #tpu.memory_space<vmem>>
      %dma_start3A_475 = tpu.memref_squeeze %dma_start3A_474 : memref<1x80x128xf32, #tpu.memory_space<vmem>> -> memref<80x128xf32, #tpu.memory_space<vmem>>
      tpu.enqueue_dma source(%dma_start3A_475 : memref<80x128xf32, #tpu.memory_space<vmem>>) target(%dma_start3A_471 : memref<80x128xf32, #tpu.memory_space<hbm>>) target_semaphore(%dma_start3A_469 : memref<!tpu.dma_semaphore, #tpu.memory_space<semaphore_mem>>)
      %add3A_476 = arith.constant 6 : i32
      %add3A_477 = arith.addi %mul3A_134, %add3A_476 : i32
      %dma_wait3A_478 = arith.constant 6 : i32
      %dma_wait3A_479 = arith.constant 6 : i32
      %dma_wait3A_480 = arith.constant 0 : i32
      %dma_wait3A_481 = arith.constant 0 : i32
      %dma_wait3A_482 = tpu.memref_slice %arg6[%dma_wait3A_478, %dma_wait3A_480, %dma_wait3A_481] : memref<8x80x128xf32, #tpu.memory_space<vmem>> -> memref<1x80x128xf32, #tpu.memory_space<vmem>>
      %dma_wait3A_483 = tpu.memref_squeeze %dma_wait3A_482 : memref<1x80x128xf32, #tpu.memory_space<vmem>> -> memref<80x128xf32, #tpu.memory_space<vmem>>
      %dma_wait3A_484 = arith.constant 0 : i32
      %dma_wait3A_485 = arith.constant 0 : i32
      %dma_wait3A_486 = tpu.memref_slice %arg3[%dma_wait3A_484, %dma_wait3A_485] : memref<100000x128xf32, #tpu.memory_space<hbm>> -> memref<80x128xf32, #tpu.memory_space<hbm>>
      %dma_wait3A_487 = tpu.memref_slice %arg7[%dma_wait3A_479] : memref<8x!tpu.dma_semaphore, #tpu.memory_space<semaphore_mem>> -> memref<1x!tpu.dma_semaphore, #tpu.memory_space<semaphore_mem>>
      %dma_wait3A_488 = tpu.memref_squeeze %dma_wait3A_487 : memref<1x!tpu.dma_semaphore, #tpu.memory_space<semaphore_mem>> -> memref<!tpu.dma_semaphore, #tpu.memory_space<semaphore_mem>>
      %dma_wait3A_489 = arith.constant 0 : i32
      %dma_wait3A_490 = arith.constant 0 : i32
      %dma_wait3A_491 = tpu.memref_slice %arg6[%dma_wait3A_478, %dma_wait3A_489, %dma_wait3A_490] : memref<8x80x128xf32, #tpu.memory_space<vmem>> -> memref<1x80x128xf32, #tpu.memory_space<vmem>>
      %dma_wait3A_492 = tpu.memref_squeeze %dma_wait3A_491 : memref<1x80x128xf32, #tpu.memory_space<vmem>> -> memref<80x128xf32, #tpu.memory_space<vmem>>
      %dma_wait3A_493 = arith.constant 0 : i32
      %dma_wait3A_494 = arith.constant 0 : i32
      %dma_wait3A_495 = tpu.memref_slice %arg3[%dma_wait3A_493, %dma_wait3A_494] : memref<100000x128xf32, #tpu.memory_space<hbm>> -> memref<80x128xf32, #tpu.memory_space<hbm>>
      tpu.wait_dma2 semaphore(%dma_wait3A_488 : memref<!tpu.dma_semaphore, #tpu.memory_space<semaphore_mem>>) src(%dma_wait3A_495 : memref<80x128xf32, #tpu.memory_space<hbm>>) dst(%dma_wait3A_492 : memref<80x128xf32, #tpu.memory_space<vmem>>)
      %dma_wait3A_496 = arith.constant 4 : i32
      %dma_wait3A_497 = arith.constant 4 : i32
      %dma_wait3A_498 = arith.constant 0 : i32
      %dma_wait3A_499 = arith.constant 0 : i32
      %dma_wait3A_500 = tpu.memref_slice %arg6[%dma_wait3A_496, %dma_wait3A_498, %dma_wait3A_499] : memref<8x80x128xf32, #tpu.memory_space<vmem>> -> memref<1x80x128xf32, #tpu.memory_space<vmem>>
      %dma_wait3A_501 = tpu.memref_squeeze %dma_wait3A_500 : memref<1x80x128xf32, #tpu.memory_space<vmem>> -> memref<80x128xf32, #tpu.memory_space<vmem>>
      %dma_wait3A_502 = arith.constant 0 : i32
      %dma_wait3A_503 = arith.constant 0 : i32
      %dma_wait3A_504 = tpu.memref_slice %arg4[%dma_wait3A_502, %dma_wait3A_503] : memref<204800x128xf32, #tpu.memory_space<hbm>> -> memref<80x128xf32, #tpu.memory_space<hbm>>
      %dma_wait3A_505 = tpu.memref_slice %arg8[%dma_wait3A_497] : memref<8x!tpu.dma_semaphore, #tpu.memory_space<semaphore_mem>> -> memref<1x!tpu.dma_semaphore, #tpu.memory_space<semaphore_mem>>
      %dma_wait3A_506 = tpu.memref_squeeze %dma_wait3A_505 : memref<1x!tpu.dma_semaphore, #tpu.memory_space<semaphore_mem>> -> memref<!tpu.dma_semaphore, #tpu.memory_space<semaphore_mem>>
      %dma_wait3A_507 = arith.constant 0 : i32
      %dma_wait3A_508 = arith.constant 0 : i32
      %dma_wait3A_509 = tpu.memref_slice %arg4[%dma_wait3A_507, %dma_wait3A_508] : memref<204800x128xf32, #tpu.memory_space<hbm>> -> memref<80x128xf32, #tpu.memory_space<hbm>>
      %dma_wait3A_510 = arith.constant 0 : i32
      %dma_wait3A_511 = arith.constant 0 : i32
      %dma_wait3A_512 = tpu.memref_slice %arg6[%dma_wait3A_496, %dma_wait3A_510, %dma_wait3A_511] : memref<8x80x128xf32, #tpu.memory_space<vmem>> -> memref<1x80x128xf32, #tpu.memory_space<vmem>>
      %dma_wait3A_513 = tpu.memref_squeeze %dma_wait3A_512 : memref<1x80x128xf32, #tpu.memory_space<vmem>> -> memref<80x128xf32, #tpu.memory_space<vmem>>
      tpu.wait_dma2 semaphore(%dma_wait3A_506 : memref<!tpu.dma_semaphore, #tpu.memory_space<semaphore_mem>>) src(%dma_wait3A_513 : memref<80x128xf32, #tpu.memory_space<vmem>>) dst(%dma_wait3A_509 : memref<80x128xf32, #tpu.memory_space<hbm>>)
      %lt3A_514 = arith.constant 9 : i32
      %lt3A_515 = arith.cmpi slt, %scan3A_132, %lt3A_514 : i32
      %convert_element_type3A_516 = arith.extui %lt3A_515 : i1 to i32
      %cond3A_517 = arith.constant 0 : i32
      %cond3A_518 = arith.cmpi ne, %convert_element_type3A_516, %cond3A_517 : i32
      scf.if %cond3A_518 {
        %add3A_600 = arith.constant 6 : i32
        %add3A_601 = arith.addi %add3A_477, %add3A_600 : i32
        %dma_start3A_602 = arith.constant 4 : i32
        %dma_start3A_603 = arith.constant 4 : i32
        %dma_start3A_604 = arith.constant 0 : i32
        %dma_start3A_605 = arith.constant 0 : i32
        %dma_start3A_606 = tpu.memref_slice %arg6[%dma_start3A_602, %dma_start3A_604, %dma_start3A_605] : memref<8x80x128xf32, #tpu.memory_space<vmem>> -> memref<1x80x128xf32, #tpu.memory_space<vmem>>
        %dma_start3A_607 = tpu.memref_squeeze %dma_start3A_606 : memref<1x80x128xf32, #tpu.memory_space<vmem>> -> memref<80x128xf32, #tpu.memory_space<vmem>>
        %dma_start3A_608 = arith.constant 0 : i32
        %dma_start3A_609 = tpu.memref_slice %arg5[%add3A_601, %dma_start3A_608] : memref<80x80xi32, #tpu.memory_space<vmem>> -> memref<1x80xi32, #tpu.memory_space<vmem>>
        %dma_start3A_610 = tpu.memref_squeeze %dma_start3A_609 : memref<1x80xi32, #tpu.memory_space<vmem>> -> memref<80xi32, #tpu.memory_space<vmem>>
        %dma_start3A_611 = arith.constant 0 : i32
        %dma_start3A_612 = arith.constant 0 : i32
        %dma_start3A_613 = tpu.memref_slice %arg3[%dma_start3A_611, %dma_start3A_612] : memref<100000x128xf32, #tpu.memory_space<hbm>> -> memref<100000x128xf32, #tpu.memory_space<hbm>>
        %dma_start3A_614 = tpu.memref_slice %arg7[%dma_start3A_603] : memref<8x!tpu.dma_semaphore, #tpu.memory_space<semaphore_mem>> -> memref<1x!tpu.dma_semaphore, #tpu.memory_space<semaphore_mem>>
        %dma_start3A_615 = tpu.memref_squeeze %dma_start3A_614 : memref<1x!tpu.dma_semaphore, #tpu.memory_space<semaphore_mem>> -> memref<!tpu.dma_semaphore, #tpu.memory_space<semaphore_mem>>
        tpu.enqueue_indirect_dma source(%dma_start3A_613 : memref<100000x128xf32, #tpu.memory_space<hbm>>) target(%dma_start3A_607 : memref<80x128xf32, #tpu.memory_space<vmem>>) offsets(%dma_start3A_610 : memref<80xi32, #tpu.memory_space<vmem>>) semaphore(%dma_start3A_615 : memref<!tpu.dma_semaphore, #tpu.memory_space<semaphore_mem>>)
      } else {
      }
      %mul3A_519 = arith.constant 80 : i32
      %mul3A_520 = arith.muli %add3A_477, %mul3A_519 : i32
      %add3A_521 = arith.addi %mul3A_2, %mul3A_520 : i32
      %dma_start3A_522 = arith.constant 6 : i32
      %dma_start3A_523 = arith.constant 6 : i32
      %dma_start3A_524 = arith.constant 0 : i32
      %dma_start3A_525 = arith.constant 0 : i32
      %dma_start3A_526 = tpu.memref_slice %arg6[%dma_start3A_522, %dma_start3A_524, %dma_start3A_525] : memref<8x80x128xf32, #tpu.memory_space<vmem>> -> memref<1x80x128xf32, #tpu.memory_space<vmem>>
      %dma_start3A_527 = tpu.memref_squeeze %dma_start3A_526 : memref<1x80x128xf32, #tpu.memory_space<vmem>> -> memref<80x128xf32, #tpu.memory_space<vmem>>
      %dma_start3A_528 = arith.constant 0 : i32
      %dma_start3A_529 = tpu.memref_slice %arg4[%add3A_521, %dma_start3A_528] : memref<204800x128xf32, #tpu.memory_space<hbm>> -> memref<80x128xf32, #tpu.memory_space<hbm>>
      %dma_start3A_530 = tpu.memref_slice %arg8[%dma_start3A_523] : memref<8x!tpu.dma_semaphore, #tpu.memory_space<semaphore_mem>> -> memref<1x!tpu.dma_semaphore, #tpu.memory_space<semaphore_mem>>
      %dma_start3A_531 = tpu.memref_squeeze %dma_start3A_530 : memref<1x!tpu.dma_semaphore, #tpu.memory_space<semaphore_mem>> -> memref<!tpu.dma_semaphore, #tpu.memory_space<semaphore_mem>>
      %dma_start3A_532 = arith.constant 0 : i32
      %dma_start3A_533 = tpu.memref_slice %arg4[%add3A_521, %dma_start3A_532] : memref<204800x128xf32, #tpu.memory_space<hbm>> -> memref<80x128xf32, #tpu.memory_space<hbm>>
      %dma_start3A_534 = arith.constant 0 : i32
      %dma_start3A_535 = arith.constant 0 : i32
      %dma_start3A_536 = tpu.memref_slice %arg6[%dma_start3A_522, %dma_start3A_534, %dma_start3A_535] : memref<8x80x128xf32, #tpu.memory_space<vmem>> -> memref<1x80x128xf32, #tpu.memory_space<vmem>>
      %dma_start3A_537 = tpu.memref_squeeze %dma_start3A_536 : memref<1x80x128xf32, #tpu.memory_space<vmem>> -> memref<80x128xf32, #tpu.memory_space<vmem>>
      tpu.enqueue_dma source(%dma_start3A_537 : memref<80x128xf32, #tpu.memory_space<vmem>>) target(%dma_start3A_533 : memref<80x128xf32, #tpu.memory_space<hbm>>) target_semaphore(%dma_start3A_531 : memref<!tpu.dma_semaphore, #tpu.memory_space<semaphore_mem>>)
      %add3A_538 = arith.constant 7 : i32
      %add3A_539 = arith.addi %mul3A_134, %add3A_538 : i32
      %dma_wait3A_540 = arith.constant 7 : i32
      %dma_wait3A_541 = arith.constant 7 : i32
      %dma_wait3A_542 = arith.constant 0 : i32
      %dma_wait3A_543 = arith.constant 0 : i32
      %dma_wait3A_544 = tpu.memref_slice %arg6[%dma_wait3A_540, %dma_wait3A_542, %dma_wait3A_543] : memref<8x80x128xf32, #tpu.memory_space<vmem>> -> memref<1x80x128xf32, #tpu.memory_space<vmem>>
      %dma_wait3A_545 = tpu.memref_squeeze %dma_wait3A_544 : memref<1x80x128xf32, #tpu.memory_space<vmem>> -> memref<80x128xf32, #tpu.memory_space<vmem>>
      %dma_wait3A_546 = arith.constant 0 : i32
      %dma_wait3A_547 = arith.constant 0 : i32
      %dma_wait3A_548 = tpu.memref_slice %arg3[%dma_wait3A_546, %dma_wait3A_547] : memref<100000x128xf32, #tpu.memory_space<hbm>> -> memref<80x128xf32, #tpu.memory_space<hbm>>
      %dma_wait3A_549 = tpu.memref_slice %arg7[%dma_wait3A_541] : memref<8x!tpu.dma_semaphore, #tpu.memory_space<semaphore_mem>> -> memref<1x!tpu.dma_semaphore, #tpu.memory_space<semaphore_mem>>
      %dma_wait3A_550 = tpu.memref_squeeze %dma_wait3A_549 : memref<1x!tpu.dma_semaphore, #tpu.memory_space<semaphore_mem>> -> memref<!tpu.dma_semaphore, #tpu.memory_space<semaphore_mem>>
      %dma_wait3A_551 = arith.constant 0 : i32
      %dma_wait3A_552 = arith.constant 0 : i32
      %dma_wait3A_553 = tpu.memref_slice %arg6[%dma_wait3A_540, %dma_wait3A_551, %dma_wait3A_552] : memref<8x80x128xf32, #tpu.memory_space<vmem>> -> memref<1x80x128xf32, #tpu.memory_space<vmem>>
      %dma_wait3A_554 = tpu.memref_squeeze %dma_wait3A_553 : memref<1x80x128xf32, #tpu.memory_space<vmem>> -> memref<80x128xf32, #tpu.memory_space<vmem>>
      %dma_wait3A_555 = arith.constant 0 : i32
      %dma_wait3A_556 = arith.constant 0 : i32
      %dma_wait3A_557 = tpu.memref_slice %arg3[%dma_wait3A_555, %dma_wait3A_556] : memref<100000x128xf32, #tpu.memory_space<hbm>> -> memref<80x128xf32, #tpu.memory_space<hbm>>
      tpu.wait_dma2 semaphore(%dma_wait3A_550 : memref<!tpu.dma_semaphore, #tpu.memory_space<semaphore_mem>>) src(%dma_wait3A_557 : memref<80x128xf32, #tpu.memory_space<hbm>>) dst(%dma_wait3A_554 : memref<80x128xf32, #tpu.memory_space<vmem>>)
      %dma_wait3A_558 = arith.constant 5 : i32
      %dma_wait3A_559 = arith.constant 5 : i32
      %dma_wait3A_560 = arith.constant 0 : i32
      %dma_wait3A_561 = arith.constant 0 : i32
      %dma_wait3A_562 = tpu.memref_slice %arg6[%dma_wait3A_558, %dma_wait3A_560, %dma_wait3A_561] : memref<8x80x128xf32, #tpu.memory_space<vmem>> -> memref<1x80x128xf32, #tpu.memory_space<vmem>>
      %dma_wait3A_563 = tpu.memref_squeeze %dma_wait3A_562 : memref<1x80x128xf32, #tpu.memory_space<vmem>> -> memref<80x128xf32, #tpu.memory_space<vmem>>
      %dma_wait3A_564 = arith.constant 0 : i32
      %dma_wait3A_565 = arith.constant 0 : i32
      %dma_wait3A_566 = tpu.memref_slice %arg4[%dma_wait3A_564, %dma_wait3A_565] : memref<204800x128xf32, #tpu.memory_space<hbm>> -> memref<80x128xf32, #tpu.memory_space<hbm>>
      %dma_wait3A_567 = tpu.memref_slice %arg8[%dma_wait3A_559] : memref<8x!tpu.dma_semaphore, #tpu.memory_space<semaphore_mem>> -> memref<1x!tpu.dma_semaphore, #tpu.memory_space<semaphore_mem>>
      %dma_wait3A_568 = tpu.memref_squeeze %dma_wait3A_567 : memref<1x!tpu.dma_semaphore, #tpu.memory_space<semaphore_mem>> -> memref<!tpu.dma_semaphore, #tpu.memory_space<semaphore_mem>>
      %dma_wait3A_569 = arith.constant 0 : i32
      %dma_wait3A_570 = arith.constant 0 : i32
      %dma_wait3A_571 = tpu.memref_slice %arg4[%dma_wait3A_569, %dma_wait3A_570] : memref<204800x128xf32, #tpu.memory_space<hbm>> -> memref<80x128xf32, #tpu.memory_space<hbm>>
      %dma_wait3A_572 = arith.constant 0 : i32
      %dma_wait3A_573 = arith.constant 0 : i32
      %dma_wait3A_574 = tpu.memref_slice %arg6[%dma_wait3A_558, %dma_wait3A_572, %dma_wait3A_573] : memref<8x80x128xf32, #tpu.memory_space<vmem>> -> memref<1x80x128xf32, #tpu.memory_space<vmem>>
      %dma_wait3A_575 = tpu.memref_squeeze %dma_wait3A_574 : memref<1x80x128xf32, #tpu.memory_space<vmem>> -> memref<80x128xf32, #tpu.memory_space<vmem>>
      tpu.wait_dma2 semaphore(%dma_wait3A_568 : memref<!tpu.dma_semaphore, #tpu.memory_space<semaphore_mem>>) src(%dma_wait3A_575 : memref<80x128xf32, #tpu.memory_space<vmem>>) dst(%dma_wait3A_571 : memref<80x128xf32, #tpu.memory_space<hbm>>)
      %lt3A_576 = arith.constant 9 : i32
      %lt3A_577 = arith.cmpi slt, %scan3A_132, %lt3A_576 : i32
      %convert_element_type3A_578 = arith.extui %lt3A_577 : i1 to i32
      %cond3A_579 = arith.constant 0 : i32
      %cond3A_580 = arith.cmpi ne, %convert_element_type3A_578, %cond3A_579 : i32
      scf.if %cond3A_580 {
        %add3A_600 = arith.constant 6 : i32
        %add3A_601 = arith.addi %add3A_539, %add3A_600 : i32
        %dma_start3A_602 = arith.constant 5 : i32
        %dma_start3A_603 = arith.constant 5 : i32
        %dma_start3A_604 = arith.constant 0 : i32
        %dma_start3A_605 = arith.constant 0 : i32
        %dma_start3A_606 = tpu.memref_slice %arg6[%dma_start3A_602, %dma_start3A_604, %dma_start3A_605] : memref<8x80x128xf32, #tpu.memory_space<vmem>> -> memref<1x80x128xf32, #tpu.memory_space<vmem>>
        %dma_start3A_607 = tpu.memref_squeeze %dma_start3A_606 : memref<1x80x128xf32, #tpu.memory_space<vmem>> -> memref<80x128xf32, #tpu.memory_space<vmem>>
        %dma_start3A_608 = arith.constant 0 : i32
        %dma_start3A_609 = tpu.memref_slice %arg5[%add3A_601, %dma_start3A_608] : memref<80x80xi32, #tpu.memory_space<vmem>> -> memref<1x80xi32, #tpu.memory_space<vmem>>
        %dma_start3A_610 = tpu.memref_squeeze %dma_start3A_609 : memref<1x80xi32, #tpu.memory_space<vmem>> -> memref<80xi32, #tpu.memory_space<vmem>>
        %dma_start3A_611 = arith.constant 0 : i32
        %dma_start3A_612 = arith.constant 0 : i32
        %dma_start3A_613 = tpu.memref_slice %arg3[%dma_start3A_611, %dma_start3A_612] : memref<100000x128xf32, #tpu.memory_space<hbm>> -> memref<100000x128xf32, #tpu.memory_space<hbm>>
        %dma_start3A_614 = tpu.memref_slice %arg7[%dma_start3A_603] : memref<8x!tpu.dma_semaphore, #tpu.memory_space<semaphore_mem>> -> memref<1x!tpu.dma_semaphore, #tpu.memory_space<semaphore_mem>>
        %dma_start3A_615 = tpu.memref_squeeze %dma_start3A_614 : memref<1x!tpu.dma_semaphore, #tpu.memory_space<semaphore_mem>> -> memref<!tpu.dma_semaphore, #tpu.memory_space<semaphore_mem>>
        tpu.enqueue_indirect_dma source(%dma_start3A_613 : memref<100000x128xf32, #tpu.memory_space<hbm>>) target(%dma_start3A_607 : memref<80x128xf32, #tpu.memory_space<vmem>>) offsets(%dma_start3A_610 : memref<80xi32, #tpu.memory_space<vmem>>) semaphore(%dma_start3A_615 : memref<!tpu.dma_semaphore, #tpu.memory_space<semaphore_mem>>)
      } else {
      }
      %mul3A_581 = arith.constant 80 : i32
      %mul3A_582 = arith.muli %add3A_539, %mul3A_581 : i32
      %add3A_583 = arith.addi %mul3A_2, %mul3A_582 : i32
      %dma_start3A_584 = arith.constant 7 : i32
      %dma_start3A_585 = arith.constant 7 : i32
      %dma_start3A_586 = arith.constant 0 : i32
      %dma_start3A_587 = arith.constant 0 : i32
      %dma_start3A_588 = tpu.memref_slice %arg6[%dma_start3A_584, %dma_start3A_586, %dma_start3A_587] : memref<8x80x128xf32, #tpu.memory_space<vmem>> -> memref<1x80x128xf32, #tpu.memory_space<vmem>>
      %dma_start3A_589 = tpu.memref_squeeze %dma_start3A_588 : memref<1x80x128xf32, #tpu.memory_space<vmem>> -> memref<80x128xf32, #tpu.memory_space<vmem>>
      %dma_start3A_590 = arith.constant 0 : i32
      %dma_start3A_591 = tpu.memref_slice %arg4[%add3A_583, %dma_start3A_590] : memref<204800x128xf32, #tpu.memory_space<hbm>> -> memref<80x128xf32, #tpu.memory_space<hbm>>
      %dma_start3A_592 = tpu.memref_slice %arg8[%dma_start3A_585] : memref<8x!tpu.dma_semaphore, #tpu.memory_space<semaphore_mem>> -> memref<1x!tpu.dma_semaphore, #tpu.memory_space<semaphore_mem>>
      %dma_start3A_593 = tpu.memref_squeeze %dma_start3A_592 : memref<1x!tpu.dma_semaphore, #tpu.memory_space<semaphore_mem>> -> memref<!tpu.dma_semaphore, #tpu.memory_space<semaphore_mem>>
      %dma_start3A_594 = arith.constant 0 : i32
      %dma_start3A_595 = tpu.memref_slice %arg4[%add3A_583, %dma_start3A_594] : memref<204800x128xf32, #tpu.memory_space<hbm>> -> memref<80x128xf32, #tpu.memory_space<hbm>>
      %dma_start3A_596 = arith.constant 0 : i32
      %dma_start3A_597 = arith.constant 0 : i32
      %dma_start3A_598 = tpu.memref_slice %arg6[%dma_start3A_584, %dma_start3A_596, %dma_start3A_597] : memref<8x80x128xf32, #tpu.memory_space<vmem>> -> memref<1x80x128xf32, #tpu.memory_space<vmem>>
      %dma_start3A_599 = tpu.memref_squeeze %dma_start3A_598 : memref<1x80x128xf32, #tpu.memory_space<vmem>> -> memref<80x128xf32, #tpu.memory_space<vmem>>
      tpu.enqueue_dma source(%dma_start3A_599 : memref<80x128xf32, #tpu.memory_space<vmem>>) target(%dma_start3A_595 : memref<80x128xf32, #tpu.memory_space<hbm>>) target_semaphore(%dma_start3A_593 : memref<!tpu.dma_semaphore, #tpu.memory_space<semaphore_mem>>)
    }
    %scan3A_96 = arith.constant 10 : i32
    %dma_wait3A = arith.constant 6 : i32
    %dma_wait3A_97 = arith.constant 6 : i32
    %dma_wait3A_98 = arith.constant 0 : i32
    %dma_wait3A_99 = arith.constant 0 : i32
    %dma_wait3A_100 = tpu.memref_slice %arg6[%dma_wait3A, %dma_wait3A_98, %dma_wait3A_99] : memref<8x80x128xf32, #tpu.memory_space<vmem>> -> memref<1x80x128xf32, #tpu.memory_space<vmem>>
    %dma_wait3A_101 = tpu.memref_squeeze %dma_wait3A_100 : memref<1x80x128xf32, #tpu.memory_space<vmem>> -> memref<80x128xf32, #tpu.memory_space<vmem>>
    %dma_wait3A_102 = arith.constant 0 : i32
    %dma_wait3A_103 = arith.constant 0 : i32
    %dma_wait3A_104 = tpu.memref_slice %arg4[%dma_wait3A_102, %dma_wait3A_103] : memref<204800x128xf32, #tpu.memory_space<hbm>> -> memref<80x128xf32, #tpu.memory_space<hbm>>
    %dma_wait3A_105 = tpu.memref_slice %arg8[%dma_wait3A_97] : memref<8x!tpu.dma_semaphore, #tpu.memory_space<semaphore_mem>> -> memref<1x!tpu.dma_semaphore, #tpu.memory_space<semaphore_mem>>
    %dma_wait3A_106 = tpu.memref_squeeze %dma_wait3A_105 : memref<1x!tpu.dma_semaphore, #tpu.memory_space<semaphore_mem>> -> memref<!tpu.dma_semaphore, #tpu.memory_space<semaphore_mem>>
    %dma_wait3A_107 = arith.constant 0 : i32
    %dma_wait3A_108 = arith.constant 0 : i32
    %dma_wait3A_109 = tpu.memref_slice %arg4[%dma_wait3A_107, %dma_wait3A_108] : memref<204800x128xf32, #tpu.memory_space<hbm>> -> memref<80x128xf32, #tpu.memory_space<hbm>>
    %dma_wait3A_110 = arith.constant 0 : i32
    %dma_wait3A_111 = arith.constant 0 : i32
    %dma_wait3A_112 = tpu.memref_slice %arg6[%dma_wait3A, %dma_wait3A_110, %dma_wait3A_111] : memref<8x80x128xf32, #tpu.memory_space<vmem>> -> memref<1x80x128xf32, #tpu.memory_space<vmem>>
    %dma_wait3A_113 = tpu.memref_squeeze %dma_wait3A_112 : memref<1x80x128xf32, #tpu.memory_space<vmem>> -> memref<80x128xf32, #tpu.memory_space<vmem>>
    tpu.wait_dma2 semaphore(%dma_wait3A_106 : memref<!tpu.dma_semaphore, #tpu.memory_space<semaphore_mem>>) src(%dma_wait3A_113 : memref<80x128xf32, #tpu.memory_space<vmem>>) dst(%dma_wait3A_109 : memref<80x128xf32, #tpu.memory_space<hbm>>)
    %dma_wait3A_114 = arith.constant 7 : i32
    %dma_wait3A_115 = arith.constant 7 : i32
    %dma_wait3A_116 = arith.constant 0 : i32
    %dma_wait3A_117 = arith.constant 0 : i32
    %dma_wait3A_118 = tpu.memref_slice %arg6[%dma_wait3A_114, %dma_wait3A_116, %dma_wait3A_117] : memref<8x80x128xf32, #tpu.memory_space<vmem>> -> memref<1x80x128xf32, #tpu.memory_space<vmem>>
    %dma_wait3A_119 = tpu.memref_squeeze %dma_wait3A_118 : memref<1x80x128xf32, #tpu.memory_space<vmem>> -> memref<80x128xf32, #tpu.memory_space<vmem>>
    %dma_wait3A_120 = arith.constant 0 : i32
    %dma_wait3A_121 = arith.constant 0 : i32
    %dma_wait3A_122 = tpu.memref_slice %arg4[%dma_wait3A_120, %dma_wait3A_121] : memref<204800x128xf32, #tpu.memory_space<hbm>> -> memref<80x128xf32, #tpu.memory_space<hbm>>
    %dma_wait3A_123 = tpu.memref_slice %arg8[%dma_wait3A_115] : memref<8x!tpu.dma_semaphore, #tpu.memory_space<semaphore_mem>> -> memref<1x!tpu.dma_semaphore, #tpu.memory_space<semaphore_mem>>
    %dma_wait3A_124 = tpu.memref_squeeze %dma_wait3A_123 : memref<1x!tpu.dma_semaphore, #tpu.memory_space<semaphore_mem>> -> memref<!tpu.dma_semaphore, #tpu.memory_space<semaphore_mem>>
    %dma_wait3A_125 = arith.constant 0 : i32
    %dma_wait3A_126 = arith.constant 0 : i32
    %dma_wait3A_127 = tpu.memref_slice %arg4[%dma_wait3A_125, %dma_wait3A_126] : memref<204800x128xf32, #tpu.memory_space<hbm>> -> memref<80x128xf32, #tpu.memory_space<hbm>>
    %dma_wait3A_128 = arith.constant 0 : i32
    %dma_wait3A_129 = arith.constant 0 : i32
    %dma_wait3A_130 = tpu.memref_slice %arg6[%dma_wait3A_114, %dma_wait3A_128, %dma_wait3A_129] : memref<8x80x128xf32, #tpu.memory_space<vmem>> -> memref<1x80x128xf32, #tpu.memory_space<vmem>>
    %dma_wait3A_131 = tpu.memref_squeeze %dma_wait3A_130 : memref<1x80x128xf32, #tpu.memory_space<vmem>> -> memref<80x128xf32, #tpu.memory_space<vmem>>
    tpu.wait_dma2 semaphore(%dma_wait3A_124 : memref<!tpu.dma_semaphore, #tpu.memory_space<semaphore_mem>>) src(%dma_wait3A_131 : memref<80x128xf32, #tpu.memory_space<vmem>>) dst(%dma_wait3A_127 : memref<80x128xf32, #tpu.memory_space<hbm>>)
    return
  }
}

</mosaic_0001>

<sc_bundles>
// kernel: kernel.3.cloned.1.call-start
scs
__scs_entry_jumppad:
0x0: {  	(pc) =	sbr.rel $0x88, $3  }
0x1: {  	(tag) =	ssettag $0x0;
	lr =	simm.s32 $0x1  }
0x2: {  	[smem:$0x3F9F] =	sst lr;
	_ =	strace $0xD0000000  }
0x3: {  	_ = 	snop  }
0x4: {  	_ = 	snop  }
0x5: {  	_ = 	snop  }
0x6: {  	_ = 	snop  }
0x7: {  	_ = 	snop  }
__scs_overlays_trampoline_lowered:
0x8: {  	[smem:$0x3FAE] =	sst s0  }
0x9: {  	[smem:$0x3FAF] =	sst s1  }
0xa: {  	[smem:$0x3FB0] =	sst s2  }
0xb: {  	[smem:$0x3FB1] =	sst s3  }
0xc: {  	[smem:$0x3FB2] =	sst s4  }
0xd: {  	[smem:$0x3FB3] =	sst s5  }
0xe: {  	[smem:$0x3FB4] =	sst s6  }
0xf: {  	[smem:$0x3FB5] =	sst s7  }
0x10: {  	[smem:$0x3FB6] =	sst s8  }
0x11: {  	[smem:$0x3FB7] =	sst s9;
	s0 =	simm.s32 @!p0 $0x0  }
0x12: {  	s1 =	sld [smem:$0x3F9D];
	s0 =	simm.s32 @p0 $0x1  }
0x13: {  	[smem:$0x3FB8] =	sst s0;
	s0 =	simm.s32 @!p1 $0x0  }
0x14: {  	s2 =	sld [smem:$0x3F9C];
	s0 =	simm.s32 @p1 $0x1  }
0x15: {  	[smem:$0x3FB9] =	sst s0;
	s0 =	simm.s32 @!p2 $0x0  }
0x16: {  	s3 =	sld [smem:$0x3FDB];
	s0 =	simm.s32 @p2 $0x1  }
0x17: {  	s4 =	simm.s32 $0x1BF5;
	[smem:$0x3FBB] =	sst s0  }
0x18: {  	s0 =	sld [smem:$0x3F9E];
	_ =	swait.ge [sflag:s4], $0x0  }
0x19: {  	s7 =	sld [smem:$0x3F9F]  }
0x1a: {  	s8 =	sadd.s32 $0xFFFFE003, lr  }
0x1b: {  	s9 =	sadd.s32 $0xFFFFFEF7, lr;
	s5 =	simm.s32 $0xFFFFFFFF;
	p2 =	slt.u32 s8, $0xFFFFF086  }
0x1c: {  	p1 =	slt.u32 s9, $0xF7A;
	s5 =	simm.s32 @!p2 $0x0  }
0x1d: {  	s5 =	simm.s32 @p1 $0x1;
	p0 =	seq.s32 s7, s2  }
0x1e: {  	s7 =	smul.u32 @!p0 $0xF7A, s2;
	p2 =	seq.s32 @!p0 s5, $0x0  }
0x1f: {  	s9 =	smul.u32 $0xF7A, s1;
	s8 =	simm.s32 @!p0 $0x1BF5;
	p2 =	por !p2, p0  }
0x20: {  	[sflag:s8] =	ssyncset.s32 @!p0 $0xFFFFF086;
	s6 =	sadd.s32 @!p0 s3, s7;
	s7 =	simm.s32 @!p0 $0x108  }
0x21: {  	s3 =	sadd.s32 s3, s9;
	s6 =	sadd.s32 @!p0 $0x88, s6;
	s7 =	simm.s32 @p2 $0x1082  }
0x22: {  	[simem:s7], [sflag:s8] =	dma.local @!p0 [hbm:s6], $0xF7A  }
0x23: {  	s9 =	sor.u32 $0xD0000000, s2;
	s6 =	simm.s32 $0x108;
	_ =	swait.ge @!p0 [sflag:s8], $0x0  }
0x24: {  	s3 =	sadd.s32 $0x88, s3;
	s6 =	simm.s32 @!p1 $0x1082;
	[sflag:s4] =	ssyncset.s32 $0xFFFFF086  }
0x25: {  	[simem:s6], [sflag:s4] =	dma.local [hbm:s3], $0xF7A  }
0x26: {  	[smem:$0x3F9F] =	sst s1;
	(tag) =	ssettag s2;
	_ =	strace s9  }
0x27: {  	s1 =	sld [smem:$0x3FAF]  }
0x28: {  	s2 =	sld [smem:$0x3FB0]  }
0x29: {  	s4 =	sld [smem:$0x3FB2]  }
0x2a: {  	p0 =	seq.s32 s5, $0x0;
	s5 =	sld [smem:$0x3FB3]  }
0x2b: {  	s6 =	sld [smem:$0x3FB4]  }
0x2c: {  	s7 =	sld [smem:$0x3FB5]  }
0x2d: {  	s3 =	simm.s32 $0x108;
	s8 =	sld [smem:$0x3FB6]  }
0x2e: {  	s3 =	simm.s32 @!p0 $0x1082;
	s9 =	sld [smem:$0x3FB7]  }
0x2f: {  	lr =	sadd.s32 s0, s3;
	s0 =	sld [smem:$0x3FAE]  }
0x30: {  	s3 =	sld [smem:$0x3FB1]  }
0x31: {  	[smem:$0x3FBA] =	sst s10  }
0x32: {  	s10 =	sld [smem:$0x3FB8];
	_ =	sdelay $0x3  }
0x33: {  	p0 =	seq.s32 s10, $0x1;
	s10 =	sld [smem:$0x3FBA];
	_ =	sdelay $0x3  }
0x34: {  	[smem:$0x3FBA] =	sst s10  }
0x35: {  	s10 =	sld [smem:$0x3FB9];
	_ =	sdelay $0x3  }
0x36: {  	p1 =	seq.s32 s10, $0x1;
	s10 =	sld [smem:$0x3FBA];
	_ =	sdelay $0x3  }
0x37: {  	[smem:$0x3FBA] =	sst s10  }
0x38: {  	s10 =	sld [smem:$0x3FBB]  }
0x39: {  	_ = 	snop;
	(pc) =	sbr.ind lr, $3  }
0x3a: {  	_ = 	snop  }
0x3b: {  	_ = 	snop  }
0x3c: {  	p2 =	seq.s32 s10, $0x1;
	s10 =	sld [smem:$0x3FBA]  }
0x3d: {  	_ =	shalt  }
0x3e: {  	_ =	shalt  }
0x3f: {  	_ =	shalt  }
0x40: {  	_ =	shalt  }
0x41: {  	_ =	shalt  }
0x42: {  	_ =	shalt  }
0x43: {  	_ =	shalt  }
0x44: {  	_ =	shalt  }
0x45: {  	_ =	shalt  }
0x46: {  	_ =	shalt  }
0x47: {  	_ =	shalt  }
0x48: {  	_ =	shalt  }
0x49: {  	_ =	shalt  }
0x4a: {  	_ =	shalt  }
0x4b: {  	_ =	shalt  }
0x4c: {  	_ =	shalt  }
0x4d: {  	_ =	shalt  }
0x4e: {  	_ =	shalt  }
0x4f: {  	_ =	shalt  }
0x50: {  	_ =	shalt  }
0x51: {  	_ =	shalt  }
0x52: {  	_ =	shalt  }
0x53: {  	_ =	shalt  }
0x54: {  	_ =	shalt  }
0x55: {  	_ =	shalt  }
0x56: {  	_ =	shalt  }
0x57: {  	_ =	shalt  }
0x58: {  	_ =	shalt  }
0x59: {  	_ =	shalt  }
0x5a: {  	_ =	shalt  }
0x5b: {  	_ =	shalt  }
0x5c: {  	_ =	shalt  }
0x5d: {  	_ =	shalt  }
0x5e: {  	_ =	shalt  }
0x5f: {  	_ =	shalt  }
0x60: {  	_ =	shalt  }
0x61: {  	_ =	shalt  }
0x62: {  	_ =	shalt  }
0x63: {  	_ =	shalt  }
0x64: {  	_ =	shalt  }
0x65: {  	_ =	shalt  }
0x66: {  	_ =	shalt  }
0x67: {  	_ =	shalt  }
0x68: {  	_ =	shalt  }
0x69: {  	_ =	shalt  }
0x6a: {  	_ =	shalt  }
0x6b: {  	_ =	shalt  }
0x6c: {  	_ =	shalt  }
0x6d: {  	_ =	shalt  }
0x6e: {  	_ =	shalt  }
0x6f: {  	_ =	shalt  }
0x70: {  	_ =	shalt  }
0x71: {  	_ =	shalt  }
0x72: {  	_ =	shalt  }
0x73: {  	_ =	shalt  }
0x74: {  	_ =	shalt  }
0x75: {  	_ =	shalt  }
0x76: {  	_ =	shalt  }
0x77: {  	_ =	shalt  }
0x78: {  	_ =	shalt  }
0x79: {  	_ =	shalt  }
0x7a: {  	_ =	shalt  }
0x7b: {  	_ =	shalt  }
0x7c: {  	_ =	shalt  }
0x7d: {  	_ =	shalt  }
0x7e: {  	_ =	shalt  }
0x7f: {  	_ =	shalt  }
0x80: {  	_ =	shalt  }
0x81: {  	_ =	shalt  }
0x82: {  	_ =	shalt  }
0x83: {  	_ =	shalt  }
0x84: {  	_ =	shalt  }
0x85: {  	_ =	shalt  }
0x86: {  	_ =	shalt  }
0x87: {  	_ =	shalt  }
.Lfunc_end0:
.L_simem_size_0:
called_computation_lowered:
.L_overlay_start_0:
0x88: {  	s2 =	sld [smem:$0x3FD9]  }
0x89: {  	s3 =	sld [smem:$0x3FFE];
	_ =	sdelay $0x1  }
0x8a: {  	s1 =	srdreg.scid  }
0x8b: {  	s0 =	sand.u32 $0x1, s1  }
0x8c: {  	s17 =	sshll.u32 s0, $0xA;
	s2 =	sadd.s32 s3, s2  }
0x8d: {  	s2 =	sadd.s32 s2, s17  }
0x8e: {  	[smem:$0x3FC6] =	sst s2  }
0x8f: {  	_ = 	snop  }
0x90: {  	s2 =	sld [smem:$0x3FC8]  }
0x91: {  	s18 =	sld [smem:$0x3FD0];
	(tm) =	ssettm $0x1  }
0x92: {  	s4 =	sld [smem:$0x3FFB];
	_ =	sdelay $0x3  }
0x93: {  	_ =	strace s4  }
0x94: {  	s4 =	sld [smem:$0x3FFC];
	_ =	sdelay $0x3  }
0x95: {  	_ =	strace s4  }
0x96: {  	s4 =	sld [smem:$0x3FFD];
	_ =	sdelay $0x3  }
0x97: {  	_ =	strace s4  }
0x98: {  	_ =	strace $0x8FFFFFFF  }
0x99: {  	s19 =	sld [smem:$0x3FDB];
	_ =	sdelay $0x1  }
0x9a: {  	s5 =	simm.s32 $_scs_section_size  }
0x9b: {  	s6 =	simm.s32 $_size__tile_overlayer_lowered;
	s7 =	simm.s32 $_tile_overlayer_lowered  }
0x9c: {  	s22 =	simm.s32 $0x1BFF;
	s21 =	sshll.u32 s7, $0x1;
	s4 =	sadd.s32 s5, s19  }
0x9d: {  	s8 =	simm.s32 $0x0;
	s20 =	sshll.u32 s6, $0x1;
	s6 =	sadd.s32 s21, s4  }
0x9e: {  	[timem:s8], [sflag:s22] =	dma.local [hbm:s6], s20  }
0x9f: {  	_ =	swait.ge [sflag:s22], s20  }
0xa0: {  	s5 =	ssub.s32 $0x0, s20;
	[sflag:s22] =	ssyncset.done $0x0  }
0xa1: {  	[sflag:s22] =	ssyncadd.s32 s5;
	_ =	sdelay $0x1  }
0xa2: {  	s23 =	simm.s32 $0x1B8B  }
0xa3: {  	_ =	swait.ge [sflag:s23], $0x1  }
0xa4: {  	[sflag:s23] =	ssyncset.done $0x0  }
0xa5: {  	s25 =	simm.s32 $0x1B8E;
	s24 =	sld [smem:$0x3FFE];
	[sflag:s23] =	ssyncadd.s32 $0xFFFFFFFF  }
0xa6: {  	s26 =	simm.s32 $execute0_lowered;
	[smem:$0x3FD2] =	sst s25  }
0xa7: {  	s6 =	sshll.u32 s26, $0x1;
	_ =	strace $0x80000046;
	[dreg:$0x1] =	wrdreg $0xFFFFFFFF  }
0xa8: {  	s28 =	simm.s32 $_size_execute0_lowered;
	s4 =	sadd.s32 s4, s6;
	[dreg:$0x0] =	wrdreg $0x0  }
0xa9: {  	s6 =	sshll.u32 s28, $0x1;
	[dreg:$0x2] =	wrdreg s4  }
0xaa: {  	[dreg:$0x3] =	wrdreg s6  }
0xab: {  	[dreg:$0x4] =	wrdreg $0xC0  }
0xac: {  	_ =	task [dreg:s8], $0x5FFFF  }
0xad: {  	[dreg:$0x1] =	wrdreg $0xFFFFFFFF  }
0xae: {  	[dreg:$0x0] =	wrdreg $0x60  }
0xaf: {  	[dreg:$0x2] =	wrdreg s24  }
0xb0: {  	[dreg:$0x3] =	wrdreg s2  }
0xb1: {  	[dreg:$0x4] =	wrdreg s18  }
0xb2: {  	[dreg:$0x5] =	wrdreg $0x9  }
0xb3: {  	_ =	task.clear_ibuf [dreg:s8], $0x6FFFF;
	_ =	strace $0x90000046  }
0xb4: {  	s29 =	simm.s32 $0x9;
	_ =	strace $0x80000048  }
0xb5: {  	_ =	swait.ge [sflag:s29], $0x1  }
0xb6: {  	[sflag:s29] =	ssyncadd.s32 $0xFFFFFFFF  }
0xb7: {  	_ =	strace $0x90000048  }
0xb8: {  	_ =	sfence  }
0xb9: {  	s30 =	sld [smem:$0x0];
	_ =	sdelay $0x2  }
0xba: {  	s31 =	sshll.u32 s1, $0xD;
	s1 =	sshrl.u32 s1, $0x2  }
0xbb: {  	s3 =	sand.u32 $0x4000, s31;
	s1 =	sadd.s32 s1, s30  }
0xbc: {  	s0 =	sor.u32 s3, s0;
	s1 =	sshll.u32 s1, $0x11  }
0xbd: {  	s0 =	sor.u32 s1, s0  }
0xbe: {  	s0 =	sadd.s32 $0x8F2B, s0  }
0xbf: {  	[sflag:s0] =	ssyncadd.remote.s32 $0x1  }
0xc0: {  	_ =	sfence.sel $0xFFFF  }
0xc1: {  	[dreg:$0x0] =	wrdreg $0xFFFFFFFF;
	(pc) =	sbr.abs _section_cstart, $3  }
0xc2: {  	[dreg:$0x1] =	wrdreg $0xFFFFFFFF  }
0xc3: {  	_ =	task.clear_ibuf [dreg:s8], $0x2FFFF;
	_ =	strace $0x9FFFFFFF  }
0xc4: {  	(tm) =	ssettm $0x7FFFFFFF  }
0xc5: {  	_ =	shalt  }
tec
execute0_lowered:
.L_overlay_start_1:
0x0: {  	(tag) =	ssettag $0x1  }
0x1: {  	s0 =	rddreg [dreg:$0x0]  }
0x2: {  	s1 =	srdreg.scid;
	s2 =	rddreg [dreg:$0x1]  }
0x3: {  	s7 =	stileid.u32;
	s4 =	rddreg [dreg:$0x2]  }
0x4: {  	s10 =	simm.s32 $0x5000;
	s12 =	simm.s32 $0x7800;
	s14 =	simm.s32 $0xA000  }
0x5: {  	s15 =	simm.s32 $0xC800;
	s16 =	simm.s32 $0xF000;
	s19 =	simm.s32 $0x1  }
0x6: {  	s20 =	simm.s32 $0x11800;
	s21 =	simm.s32 $0x2;
	s22 =	simm.s32 $0x14000  }
0x7: {  	s23 =	simm.s32 $0x3;
	s28 =	simm.s32 $0x5;
	s29 =	simm.s32 $0xB  }
0x8: {  	s30 =	simm.s32 $0x6;
	s31 =	simm.s32 $0xC;
	s9 =	simm.s32 $0x8  }
0x9: {  	s11 =	simm.s32 $0xE;
	s1 =	sand.u32 $0x1, s1;
	s3 =	sshll.u32 s7, $0x1  }
0xa: {  	s18 =	simm.s32 $0xC800;
	s7 =	smul.u32 $0x32000, s7;
	s5 =	sor.u32 s1, s3  }
0xb: {  	s3 =	simm.s32 $0x0;
	s6 =	ssub.s32 $0x2, s1;
	s1 =	smul.u32 $0x19000, s1  }
0xc: {  	s5 =	smul.u32 $0x500, s5;
	[smem:$0x7FF] =	sst s3;
	s8 =	sshrl.u32 s6, $0x1  }
0xd: {  	s4 =	sadd.s32 s7, s4;
	s7 =	simm.s32 $0x50;
	_ =	strace $0x80000047  }
0xe: {  	s24 =	ssub.s32 s6, s8;
	s26 =	sadd.s32 s1, s4;
	s8 =	simm.s32 $0x2800  }
0xf: {  	s1 =	simm.s32 $0x7;
	s6 =	simm.s32 $0x0;
	s0 =	sadd.s32 s5, s0  }
0x10: {  	s25 =	smax.u32 s24, $0x1;
	[dreg:$0x4] =	wrdreg s26;
	s24 =	simm.s32 $0x9  }
0x11: {  	s26 =	simm.s32 $0xA;
	s0 =	sadd.s32 $0x400, s0;
	[dreg:$0x6] =	wrdreg s25  }
0x12: {  	s25 =	simm.s32 $0x4;
	[dreg:$0x5] =	wrdreg s0;
	s0 =	simm.s32 $0xD  }
.LBB2_1:
0x13: {  	[dreg:$0x7] =	wrdreg s6  }
0x14: {  	s4 =	rddreg [dreg:$0x5];
	s6 =	simm.s32 $0x11  }
0x15: {  	[tilespmem:s3], [sflag:$0x11] =	stream.linear.gather [hbm4b:s4+s3], $0x2800, $0x38;
	[tilespmem:$0x16800] =	vst v63  }
0x16: {  	_ =	swait.ge [sflag:s6], $0x2800  }
0x17: {  	[sflag:s6] =	ssyncset.done $0x0  }
0x18: {  	[sflag:s6] =	ssyncadd.s32 $0xFFFFD800  }
0x19: {  	[tilespmem:s8], [sflag:$0x1] =	stream.indirect.gather [hbm4b:s2+s7], $0x80, s3, s7, $0xb8;
	[tilespmem:$0x16800] =	vst v63  }
0x1a: {  	s13 =	simm.s32 $0x80  }
0x1b: {  	[tilespmem:s10], [sflag:$0x2] =	stream.indirect.gather [hbm4b:s2+s7], $0x80, s13, s7, $0xb8;
	[tilespmem:$0x16800] =	vst v63  }
0x1c: {  	s17 =	simm.s32 $0x100  }
0x1d: {  	[tilespmem:s12], [sflag:$0x3] =	stream.indirect.gather [hbm4b:s2+s7], $0x80, s17, s7, $0xb8;
	[tilespmem:$0x16800] =	vst v63  }
0x1e: {  	s5 =	simm.s32 $0x180  }
0x1f: {  	[tilespmem:s14], [sflag:$0x4] =	stream.indirect.gather [hbm4b:s2+s7], $0x80, s5, s7, $0xb8;
	[tilespmem:$0x16800] =	vst v63  }
0x20: {  	s6 =	simm.s32 $0x200  }
0x21: {  	[tilespmem:s15], [sflag:$0x5] =	stream.indirect.gather [hbm4b:s2+s7], $0x80, s6, s7, $0xb8;
	[tilespmem:$0x16800] =	vst v63  }
0x22: {  	s13 =	simm.s32 $0x280  }
0x23: {  	[tilespmem:s16], [sflag:$0x6] =	stream.indirect.gather [hbm4b:s2+s7], $0x80, s13, s7, $0xb8;
	[tilespmem:$0x16800] =	vst v63  }
0x24: {  	_ =	swait.ge [sflag:s19], $0x2800  }
0x25: {  	p0 =	por $0x1, $0x1;
	[sflag:s19] =	ssyncset.done $0x0  }
0x26: {  	s4 =	simm.s32 @!p0 $0xF;
	[sflag:s19] =	ssyncadd.s32 $0xFFFFD800  }
0x27: {  	s5 =	simm.s32 @!p0 $0x0;
	_ =	swait.ge @!p0 [sflag:s4], $0x2800  }
0x28: {  	s5 =	simm.s32 @p0 $0x0;
	[sflag:s4] =	ssyncset.done @!p0 $0x0  }
0x29: {  	s13 =	sadd.s32 $0x300, s5;
	s17 =	rddreg [dreg:$0x4];
	[sflag:s4] =	ssyncadd.s32 @!p0 $0xFFFFD800  }
0x2a: {  	[tilespmem:s20], [sflag:$0x7] =	stream.indirect.gather [hbm4b:s2+s7], $0x80, s13, s7, $0xb8;
	[tilespmem:$0x16800] =	vst v63  }
0x2b: {  	s6 =	sadd.s32 $0x0, s17  }
0x2c: {  	[hbm4b:s6+s3] =	stream.linear.scatter [tilespmem:s8], [sflag:$0x9], $0x2800, $0x38;
	[tilespmem:$0x16800] =	vst v63  }
0x2d: {  	_ =	swait.ge [sflag:s21], $0x2800  }
0x2e: {  	[sflag:s21] =	ssyncset.done $0x0  }
0x2f: {  	s4 =	simm.s32 @!p0 $0x10;
	[sflag:s21] =	ssyncadd.s32 $0xFFFFD800  }
0x30: {  	_ =	swait.ge @!p0 [sflag:s4], $0x2800  }
0x31: {  	[sflag:s4] =	ssyncset.done @!p0 $0x0  }
0x32: {  	s5 =	sadd.s32 $0x380, s5;
	[sflag:s4] =	ssyncadd.s32 @!p0 $0xFFFFD800  }
0x33: {  	[tilespmem:s22], [sflag:$0x8] =	stream.indirect.gather [hbm4b:s2+s7], $0x80, s5, s7, $0xb8;
	[tilespmem:$0x16800] =	vst v63  }
0x34: {  	s8 =	sadd.s32 $0x500, s6  }
0x35: {  	[hbm4b:s8+s3] =	stream.linear.scatter [tilespmem:s10], [sflag:$0xA], $0x2800, $0x38;
	[tilespmem:$0x16800] =	vst v63  }
0x36: {  	_ =	swait.ge [sflag:s23], $0x2800  }
0x37: {  	[sflag:s23] =	ssyncset.done $0x0  }
0x38: {  	[sflag:s23] =	ssyncadd.s32 $0xFFFFD800  }
0x39: {  	p0 =	por $0x0, $0x0;
	_ =	swait.ge [sflag:s24], $0x2800  }
0x3a: {  	s4 =	simm.s32 @!p0 $0x400;
	[sflag:s24] =	ssyncset.done $0x0  }
0x3b: {  	s5 =	simm.s32 @!p0 $0x50;
	s13 =	simm.s32 @!p0 $0x2800;
	[sflag:s24] =	ssyncadd.s32 $0xFFFFD800  }
0x3c: {  	[tilespmem:s13], [sflag:$0x1] =	stream.indirect.gather @!p0 [hbm4b:s2+s5], $0x80, s4, s5, $0xb8;
	[tilespmem:$0x16800] =	vst v63  }
0x3d: {  	s10 =	sadd.s32 $0xA00, s6  }
0x3e: {  	[hbm4b:s10+s3] =	stream.linear.scatter [tilespmem:s12], [sflag:$0xB], $0x2800, $0x38;
	[tilespmem:$0x16800] =	vst v63  }
0x3f: {  	_ =	swait.ge [sflag:s25], $0x2800  }
0x40: {  	[sflag:s25] =	ssyncset.done $0x0  }
0x41: {  	[sflag:s25] =	ssyncadd.s32 $0xFFFFD800  }
0x42: {  	_ =	swait.ge [sflag:s26], $0x2800  }
0x43: {  	[sflag:s26] =	ssyncset.done $0x0  }
0x44: {  	s4 =	simm.s32 @!p0 $0x480;
	s13 =	simm.s32 @!p0 $0x5000;
	[sflag:s26] =	ssyncadd.s32 $0xFFFFD800  }
0x45: {  	[tilespmem:s13], [sflag:$0x2] =	stream.indirect.gather @!p0 [hbm4b:s2+s5], $0x80, s4, s5, $0xb8;
	[tilespmem:$0x16800] =	vst v63  }
0x46: {  	s13 =	sadd.s32 $0xF00, s6  }
0x47: {  	[hbm4b:s13+s3] =	stream.linear.scatter [tilespmem:s14], [sflag:$0xC], $0x2800, $0x38;
	[tilespmem:$0x16800] =	vst v63  }
0x48: {  	_ =	swait.ge [sflag:s28], $0x2800  }
0x49: {  	[sflag:s28] =	ssyncset.done $0x0  }
0x4a: {  	[sflag:s28] =	ssyncadd.s32 $0xFFFFD800  }
0x4b: {  	_ =	swait.ge [sflag:s29], $0x2800  }
0x4c: {  	[sflag:s29] =	ssyncset.done $0x0  }
0x4d: {  	s4 =	simm.s32 @!p0 $0x500;
	s13 =	simm.s32 @!p0 $0x7800;
	[sflag:s29] =	ssyncadd.s32 $0xFFFFD800  }
0x4e: {  	[tilespmem:s13], [sflag:$0x3] =	stream.indirect.gather @!p0 [hbm4b:s2+s5], $0x80, s4, s5, $0xb8;
	[tilespmem:$0x16800] =	vst v63  }
0x4f: {  	s14 =	sadd.s32 $0x1400, s6  }
0x50: {  	[hbm4b:s14+s3] =	stream.linear.scatter [tilespmem:s15], [sflag:$0xD], $0x2800, $0x38;
	[tilespmem:$0x16800] =	vst v63  }
0x51: {  	_ =	swait.ge [sflag:s30], $0x2800  }
0x52: {  	[sflag:s30] =	ssyncset.done $0x0  }
0x53: {  	[sflag:s30] =	ssyncadd.s32 $0xFFFFD800  }
0x54: {  	_ =	swait.ge [sflag:s31], $0x2800  }
0x55: {  	[sflag:s31] =	ssyncset.done $0x0  }
0x56: {  	s4 =	simm.s32 @!p0 $0x580;
	s13 =	simm.s32 @!p0 $0xA000;
	[sflag:s31] =	ssyncadd.s32 $0xFFFFD800  }
0x57: {  	[tilespmem:s13], [sflag:$0x4] =	stream.indirect.gather @!p0 [hbm4b:s2+s5], $0x80, s4, s5, $0xb8;
	[tilespmem:$0x16800] =	vst v63  }
0x58: {  	s15 =	sadd.s32 $0x1900, s6  }
0x59: {  	[hbm4b:s15+s3] =	stream.linear.scatter [tilespmem:s16], [sflag:$0xE], $0x2800, $0x38;
	[tilespmem:$0x16800] =	vst v63  }
0x5a: {  	_ =	swait.ge [sflag:s1], $0x2800  }
0x5b: {  	[sflag:s1] =	ssyncset.done $0x0  }
0x5c: {  	[sflag:s1] =	ssyncadd.s32 $0xFFFFD800  }
0x5d: {  	_ =	swait.ge [sflag:s0], $0x2800  }
0x5e: {  	[sflag:s0] =	ssyncset.done $0x0  }
0x5f: {  	s4 =	simm.s32 @!p0 $0x600;
	s13 =	simm.s32 @!p0 $0xC800;
	[sflag:s0] =	ssyncadd.s32 $0xFFFFD800  }
0x60: {  	[tilespmem:s13], [sflag:$0x5] =	stream.indirect.gather @!p0 [hbm4b:s2+s5], $0x80, s4, s5, $0xb8;
	[tilespmem:$0x16800] =	vst v63  }
0x61: {  	s17 =	sadd.s32 $0x1E00, s6  }
0x62: {  	[hbm4b:s17+s3] =	stream.linear.scatter [tilespmem:s20], [sflag:$0xF], $0x2800, $0x38;
	[tilespmem:$0x16800] =	vst v63  }
0x63: {  	_ =	swait.ge [sflag:s9], $0x2800  }
0x64: {  	[sflag:s9] =	ssyncset.done $0x0  }
0x65: {  	[sflag:s9] =	ssyncadd.s32 $0xFFFFD800  }
0x66: {  	s12 =	simm.s32 $0xF000;
	_ =	swait.ge [sflag:s11], $0x2800  }
0x67: {  	s10 =	simm.s32 $0x2800;
	s6 =	sadd.s32 $0x2300, s6;
	[sflag:s11] =	ssyncset.done $0x0  }
0x68: {  	s4 =	simm.s32 $0x680;
	s13 =	simm.s32 @!p0 $0xF000;
	[sflag:s11] =	ssyncadd.s32 $0xFFFFD800  }
0x69: {  	[tilespmem:s13], [sflag:$0x6] =	stream.indirect.gather @!p0 [hbm4b:s2+s5], $0x80, s4, s5, $0xb8;
	[tilespmem:$0x16800] =	vst v63  }
0x6a: {  	s14 =	simm.s32 $0x7800;
	s16 =	simm.s32 $0xA000;
	s5 =	simm.s32 $0x2800  }
.LBB2_2:
0x6b: {  	[hbm4b:s6+s3] =	stream.linear.scatter [tilespmem:s22], [sflag:$0x10], $0x2800, $0x38;
	[tilespmem:$0x16800] =	vst v63  }
0x6c: {  	s13 =	smov.u32 s5;
	_ =	swait.ge [sflag:s19], $0x2800  }
0x6d: {  	p1 =	seq.s32 s13, $0x0;
	[sflag:s19] =	ssyncset.done $0x0  }
0x6e: {  	s4 =	sadd.s32 $0x400, s4;
	s6 =	simm.s32 @!p1 $0xF;
	[sflag:s19] =	ssyncadd.s32 $0xFFFFD800  }
0x6f: {  	s15 =	sadd.s32 @!p1 $0xFFFFF980, s4;
	_ =	swait.ge @!p1 [sflag:s6], $0x2800  }
0x70: {  	s15 =	simm.s32 @p1 $0x0;
	[sflag:s6] =	ssyncset.done @!p1 $0x0  }
0x71: {  	s17 =	sadd.s32 $0x300, s15;
	s8 =	rddreg [dreg:$0x4];
	[sflag:s6] =	ssyncadd.s32 @!p1 $0xFFFFD800  }
0x72: {  	[tilespmem:s20], [sflag:$0x7] =	stream.indirect.gather [hbm4b:s2+s7], $0x80, s17, s7, $0xb8;
	[tilespmem:$0x16800] =	vst v63  }
0x73: {  	s6 =	sadd.s32 s13, s8  }
0x74: {  	[hbm4b:s6+s3] =	stream.linear.scatter [tilespmem:s10], [sflag:$0x9], $0x2800, $0x38;
	[tilespmem:$0x16800] =	vst v63  }
0x75: {  	_ =	swait.ge [sflag:s21], $0x2800  }
0x76: {  	[sflag:s21] =	ssyncset.done $0x0  }
0x77: {  	s8 =	simm.s32 @!p1 $0x10;
	[sflag:s21] =	ssyncadd.s32 $0xFFFFD800  }
0x78: {  	_ =	swait.ge @!p1 [sflag:s8], $0x2800  }
0x79: {  	[sflag:s8] =	ssyncset.done @!p1 $0x0  }
0x7a: {  	s15 =	sadd.s32 $0x380, s15;
	[sflag:s8] =	ssyncadd.s32 @!p1 $0xFFFFD800  }
0x7b: {  	[tilespmem:s22], [sflag:$0x8] =	stream.indirect.gather [hbm4b:s2+s7], $0x80, s15, s7, $0xb8;
	[tilespmem:$0x16800] =	vst v63  }
0x7c: {  	s17 =	simm.s32 $0x5000;
	s15 =	sadd.s32 $0x500, s6  }
0x7d: {  	[hbm4b:s15+s3] =	stream.linear.scatter [tilespmem:s17], [sflag:$0xA], $0x2800, $0x38;
	[tilespmem:$0x16800] =	vst v63  }
0x7e: {  	_ =	swait.ge [sflag:s23], $0x2800  }
0x7f: {  	[sflag:s23] =	ssyncset.done $0x0  }
0x80: {  	[sflag:s23] =	ssyncadd.s32 $0xFFFFD800  }
0x81: {  	p1 =	seq.s32 s13, $0x16800;
	_ =	swait.ge [sflag:s24], $0x2800  }
0x82: {  	s8 =	sadd.s32 @!p1 $0xFFFFFD80, s4;
	[sflag:s24] =	ssyncset.done $0x0  }
0x83: {  	s13 =	simm.s32 @!p1 $0x50;
	s15 =	simm.s32 @!p1 $0x2800;
	[sflag:s24] =	ssyncadd.s32 $0xFFFFD800  }
0x84: {  	[tilespmem:s15], [sflag:$0x1] =	stream.indirect.gather @!p1 [hbm4b:s2+s13], $0x80, s8, s13, $0xb8;
	[tilespmem:$0x16800] =	vst v63  }
0x85: {  	s17 =	sadd.s32 $0xA00, s6  }
0x86: {  	[hbm4b:s17+s3] =	stream.linear.scatter [tilespmem:s14], [sflag:$0xB], $0x2800, $0x38;
	[tilespmem:$0x16800] =	vst v63  }
0x87: {  	_ =	swait.ge [sflag:s25], $0x2800  }
0x88: {  	[sflag:s25] =	ssyncset.done $0x0  }
0x89: {  	[sflag:s25] =	ssyncadd.s32 $0xFFFFD800  }
0x8a: {  	_ =	swait.ge [sflag:s26], $0x2800  }
0x8b: {  	[sflag:s26] =	ssyncset.done $0x0  }
0x8c: {  	s8 =	sadd.s32 @!p1 $0xFFFFFE00, s4;
	s15 =	simm.s32 @!p1 $0x5000;
	[sflag:s26] =	ssyncadd.s32 $0xFFFFD800  }
0x8d: {  	[tilespmem:s15], [sflag:$0x2] =	stream.indirect.gather @!p1 [hbm4b:s2+s13], $0x80, s8, s13, $0xb8;
	[tilespmem:$0x16800] =	vst v63  }
0x8e: {  	s17 =	sadd.s32 $0xF00, s6  }
0x8f: {  	[hbm4b:s17+s3] =	stream.linear.scatter [tilespmem:s16], [sflag:$0xC], $0x2800, $0x38;
	[tilespmem:$0x16800] =	vst v63  }
0x90: {  	_ =	swait.ge [sflag:s28], $0x2800  }
0x91: {  	[sflag:s28] =	ssyncset.done $0x0  }
0x92: {  	[sflag:s28] =	ssyncadd.s32 $0xFFFFD800  }
0x93: {  	_ =	swait.ge [sflag:s29], $0x2800  }
0x94: {  	[sflag:s29] =	ssyncset.done $0x0  }
0x95: {  	s8 =	sadd.s32 @!p1 $0xFFFFFE80, s4;
	s15 =	simm.s32 @!p1 $0x7800;
	[sflag:s29] =	ssyncadd.s32 $0xFFFFD800  }
0x96: {  	[tilespmem:s15], [sflag:$0x3] =	stream.indirect.gather @!p1 [hbm4b:s2+s13], $0x80, s8, s13, $0xb8;
	[tilespmem:$0x16800] =	vst v63  }
0x97: {  	s17 =	sadd.s32 $0x1400, s6  }
0x98: {  	[hbm4b:s17+s3] =	stream.linear.scatter [tilespmem:s18], [sflag:$0xD], $0x2800, $0x38;
	[tilespmem:$0x16800] =	vst v63  }
0x99: {  	_ =	swait.ge [sflag:s30], $0x2800  }
0x9a: {  	[sflag:s30] =	ssyncset.done $0x0  }
0x9b: {  	[sflag:s30] =	ssyncadd.s32 $0xFFFFD800  }
0x9c: {  	_ =	swait.ge [sflag:s31], $0x2800  }
0x9d: {  	[sflag:s31] =	ssyncset.done $0x0  }
0x9e: {  	s8 =	sadd.s32 @!p1 $0xFFFFFF00, s4;
	s15 =	simm.s32 @!p1 $0xA000;
	[sflag:s31] =	ssyncadd.s32 $0xFFFFD800  }
0x9f: {  	[tilespmem:s15], [sflag:$0x4] =	stream.indirect.gather @!p1 [hbm4b:s2+s13], $0x80, s8, s13, $0xb8;
	[tilespmem:$0x16800] =	vst v63  }
0xa0: {  	s17 =	sadd.s32 $0x1900, s6  }
0xa1: {  	[hbm4b:s17+s3] =	stream.linear.scatter [tilespmem:s12], [sflag:$0xE], $0x2800, $0x38;
	[tilespmem:$0x16800] =	vst v63  }
0xa2: {  	_ =	swait.ge [sflag:s1], $0x2800  }
0xa3: {  	[sflag:s1] =	ssyncset.done $0x0  }
0xa4: {  	[sflag:s1] =	ssyncadd.s32 $0xFFFFD800  }
0xa5: {  	_ =	swait.ge [sflag:s0], $0x2800  }
0xa6: {  	[sflag:s0] =	ssyncset.done $0x0  }
0xa7: {  	s8 =	sadd.s32 @!p1 $0xFFFFFF80, s4;
	s15 =	simm.s32 @!p1 $0xC800;
	[sflag:s0] =	ssyncadd.s32 $0xFFFFD800  }
0xa8: {  	[tilespmem:s15], [sflag:$0x5] =	stream.indirect.gather @!p1 [hbm4b:s2+s13], $0x80, s8, s13, $0xb8;
	[tilespmem:$0x16800] =	vst v63  }
0xa9: {  	s17 =	sadd.s32 $0x1E00, s6  }
0xaa: {  	[hbm4b:s17+s3] =	stream.linear.scatter [tilespmem:s20], [sflag:$0xF], $0x2800, $0x38;
	[tilespmem:$0x16800] =	vst v63  }
0xab: {  	s5 =	sadd.s32 $0x2800, s5;
	_ =	swait.ge [sflag:s9], $0x2800  }
0xac: {  	p0 =	sne.s32 s5, $0x19000;
	[sflag:s9] =	ssyncset.done $0x0  }
.Ltmp0:
0xad: {  	[sflag:s9] =	ssyncadd.s32 $0xFFFFD800;
	(pc) =	sbr.rel @p0 .LBB2_2-.Ltmp0, $4  }
0xae: {  	_ =	swait.ge [sflag:s11], $0x2800  }
0xaf: {  	[sflag:s11] =	ssyncset.done $0x0  }
0xb0: {  	s6 =	sadd.s32 $0x2300, s6;
	s8 =	simm.s32 @!p1 $0xF000;
	[sflag:s11] =	ssyncadd.s32 $0xFFFFD800  }
0xb1: {  	[tilespmem:s8], [sflag:$0x6] =	stream.indirect.gather @!p1 [hbm4b:s2+s13], $0x80, s4, s13, $0xb8;
	[tilespmem:$0x16800] =	vst v63  }
0xb2: {  	[hbm4b:s6+s3] =	stream.linear.scatter [tilespmem:s22], [sflag:$0x10], $0x2800, $0x38;
	[tilespmem:$0x16800] =	vst v63  }
0xb3: {  	s4 =	simm.s32 $0xF  }
0xb4: {  	_ =	swait.ge [sflag:s4], $0x2800  }
0xb5: {  	[sflag:s4] =	ssyncset.done $0x0  }
0xb6: {  	s5 =	simm.s32 $0x10;
	[sflag:s4] =	ssyncadd.s32 $0xFFFFD800  }
0xb7: {  	_ =	swait.ge [sflag:s5], $0x2800  }
0xb8: {  	s16 =	rddreg [dreg:$0x7]  }
0xb9: {  	s17 =	rddreg [dreg:$0x6];
	s6 =	sadd.s32 $0x1, s16  }
0xba: {  	p0 =	sne.s32 s6, s17  }
.Ltmp1:
0xbb: {  	_ = 	snop;
	(pc) =	sbr.rel @p0 .LBB2_1-.Ltmp1, $4  }
0xbc: {  	_ = 	snop  }
0xbd: {  	s8 =	simm.s32 $0x2800;
	s10 =	simm.s32 $0x5000  }
0xbe: {  	s12 =	simm.s32 $0x7800;
	s14 =	simm.s32 $0xA000;
	[sflag:s5] =	ssyncset.done $0x0  }
0xbf: {  	s15 =	simm.s32 $0xC800;
	[sflag:s5] =	ssyncadd.s32 $0xFFFFD800;
	s16 =	simm.s32 $0xF000  }
0xc0: {  	_ =	sfence.sel $0x180000  }
0xc1: {  	[bflag:$0x0] =	sbarrier.arrive $0xFFFF  }
0xc2: {  	_ =	strace $0x90000047  }
0xc3: {  	s0 =	stileid.u32;
	[bflag:$0x2] =	sbarrier.arrive $0xFFFF  }
0xc4: {  	p0 =	sne.s32 s0, $0x0;
	s0 =	rddreg [dreg:$0x3]  }
0xc5: {  	s0 =	sadd.s32 @!p0 $0x100000, s0  }
0xc6: {  	[sflag:s0] =	ssyncadd.tile.s32 @!p0 $0x1;
	_ =	shalt  }
.Lfunc_end2:
_tile_overlayer_lowered:
.L_overlay_start_2:
0xc7: {  	(tag) =	ssettag $0x2  }
0xc8: {  	s0 =	rddreg [dreg:$0x0];
	s2 =	stileid.u32  }
0xc9: {  	s1 =	rddreg [dreg:$0x1];
	p0 =	sne.s32 s2, $0x0  }
0xca: {  	s3 =	rddreg [dreg:$0x2];
	[bflag:$0x3] =	sbarrier.arrive $0xFFFF;
	s2 =	simm.s32 @!p0 $0x1C11  }
0xcb: {  	[timem:s3], [sflag:s2] =	dma.local @!p0 [hbm:s0], s1  }
0xcc: {  	s0 =	simm.s32 @!p0 $0x11  }
0xcd: {  	_ =	swait.ge @!p0 [sflag:s0], s1  }
0xce: {  	s1 =	ssub.s32 @!p0 $0x0, s1;
	[sflag:s0] =	ssyncset.done @!p0 $0x0  }
0xcf: {  	[sflag:s0] =	ssyncadd.s32 @!p0 s1  }
0xd0: {  	[bflag:$0x3] =	sbarrier.arrive $0xFFFF  }
0xd1: {  	_ =	shalt  }

</sc_bundles>
